<compile_context>
chip_gen: v7x
topology: tpu7x:2x2x1
jax: 0.10.2.dev20260603
libtpu: 0.0.44.dev20260713+nightly
codegen_flags: <defaults>
</compile_context>

<pallas_src>
import jax
import jax.numpy as jnp
from jax import lax
from jax.experimental import pallas as pl
from jax.experimental.pallas import tpu as pltpu
from jax.experimental.pallas import tpu_sc as plsc

NC = 2
NS = 16
NW = NC * NS
PAIRS = 16384
D = 32
PAIRS_PER_W = PAIRS // NW
ROWS_PER_W = 2 * PAIRS_PER_W
NCHUNK = 8
CHUNK = ROWS_PER_W // NCHUNK
GROUPS = PAIRS_PER_W // 16


def _ip_body(emb_hbm, idx_hbm, out_hbm, idx_v, rows_v, out_v, sem):
    wid = lax.axis_index("s") * NC + lax.axis_index("c")
    pltpu.sync_copy(idx_hbm.at[wid], idx_v)
    copies = []
    for j in range(NCHUNK):
        copies.append(
            pltpu.async_copy(
                emb_hbm.at[idx_v.at[j]],
                rows_v.at[pl.ds(j * CHUNK, CHUNK)],
                sem,
            )
        )
    for c in copies:
        c.wait()

    even = lax.iota(jnp.int32, 16) * 2

    def group(g, carry):
        row_s = even + g * 32
        row_o = row_s + 1
        acc = jnp.zeros((16,), jnp.float32)
        for d in range(D):
            col = jnp.full((16,), d, jnp.int32)
            s_v = plsc.load_gather(rows_v, [row_s, col])
            o_v = plsc.load_gather(rows_v, [row_o, col])
            acc = acc + s_v * o_v
        out_v[pl.ds(g * 16, 16)] = 1.0 / (1.0 + jnp.exp(-acc))
        return carry

    lax.fori_loop(0, GROUPS, group, 0)
    pltpu.sync_copy(out_v, out_hbm.at[pl.ds(wid * PAIRS_PER_W, PAIRS_PER_W)])


@jax.jit
def _ip(emb, idx):
    mesh = plsc.VectorSubcoreMesh(core_axis_name="c", subcore_axis_name="s")
    return pl.kernel(
        _ip_body,
        mesh=mesh,
        compiler_params=pltpu.CompilerParams(
            needs_layout_passes=False, use_tc_tiling_on_sc=False
        ),
        out_type=jax.ShapeDtypeStruct((PAIRS,), jnp.float32),
        scratch_types=[
            pltpu.VMEM((NCHUNK, CHUNK), jnp.int32),
            pltpu.VMEM((ROWS_PER_W, D), jnp.float32),
            pltpu.VMEM((PAIRS_PER_W,), jnp.float32),
            pltpu.SemaphoreType.DMA,
        ],
    )(emb, idx)


def kernel(emb, batch_ind):
    idx = batch_ind.astype(jnp.int32).reshape(NW, NCHUNK, CHUNK)
    return _ip(emb, idx)

# --- scband reference (transcript-rebuilt; emitter-appended) ---
"""Pipeline reference for scband-ip-14439680049164 (READ-ONLY COPY).

The authoritative reference and input builder live on the scoring server;
editing this copy changes nothing except your own understanding.
"""

import jax, jax.numpy as jnp
import numpy as np

def setup_inputs(seed: int = 0) -> dict:
    key = jax.random.key(seed)
    k1, k2 = jax.random.split(key)
    emb = jax.random.normal(k1, (1000000, 32), dtype=jnp.float32)
    batch_ind = jax.random.randint(k2, (16384, 2), 0, 1000000, dtype=jnp.int64)
    return {"emb": emb, "batch_ind": batch_ind}

def reference(emb, batch_ind):
    x = emb[batch_ind]
    x_s = x[:, 0, :]
    x_o = x[:, 1, :]
    x = jnp.sum(x_s * x_o, axis=1)
    return jax.nn.sigmoid(x)

if __name__ == "__main__":
    import jax
    _d = setup_inputs()
    print(jax.jit(kernel)(*tuple(_d.values())))

</pallas_src>

<mosaic_0001>
#map = affine_map<(d0, d1) -> (0, 0)>
#map1 = affine_map<(d0, d1) -> (0, 0, 0)>
#map2 = affine_map<(d0, d1) -> (0)>
module attributes {stable_mosaic.version = 14 : i64} {
  func.func @_ip_body(%arg0: i32, %arg1: i32, %arg2: memref<1000000x32xf32, #tpu.memory_space<hbm>>, %arg3: memref<32x8x128xi32, #tpu.memory_space<hbm>>, %arg4: memref<16384xf32, #tpu.memory_space<hbm>>, %arg5: memref<8x128xi32, #tpu.memory_space<vmem>>, %arg6: memref<1024x32xf32, #tpu.memory_space<vmem>>, %arg7: memref<512xf32, #tpu.memory_space<vmem>>, %arg8: memref<!tpu.dma_semaphore, #tpu.memory_space<semaphore_mem>>) attributes {dimension_semantics = [#tpu.dimension_semantics<core_parallel>, #tpu.dimension_semantics<subcore_parallel>], iteration_bounds = array<i64: 2, 16>, scalar_prefetch = 0 : i64, scratch_operands = 4 : i64, tpu.core_type = #tpu.core_type<sc_vector_subcore>, window_params = [{transform_indices = #map}, {transform_indices = #map1}, {transform_indices = #map2}]} {
    %mul3A = arith.constant 2 : i32
    %mul3A_0 = arith.muli %arg1, %mul3A : i32
    %add3A = arith.addi %mul3A_0, %arg0 : i32
    "tpu.region"() ({
      %run_scoped3A = tpu.sem_alloc : memref<!tpu.dma_semaphore, #tpu.memory_space<semaphore_mem>>
      %dma_start3A_169 = arith.constant 0 : i32
      %dma_start3A_170 = arith.constant 0 : i32
      %dma_start3A_171 = tpu.memref_slice %arg3[%add3A, %dma_start3A_169, %dma_start3A_170] : memref<32x8x128xi32, #tpu.memory_space<hbm>> -> memref<1x8x128xi32, #tpu.memory_space<hbm>>
      %dma_start3A_172 = tpu.memref_squeeze %dma_start3A_171 : memref<1x8x128xi32, #tpu.memory_space<hbm>> -> memref<8x128xi32, #tpu.memory_space<hbm>>
      %dma_start3A_173 = arith.constant 0 : i32
      %dma_start3A_174 = arith.constant 0 : i32
      %dma_start3A_175 = tpu.memref_slice %arg3[%add3A, %dma_start3A_173, %dma_start3A_174] : memref<32x8x128xi32, #tpu.memory_space<hbm>> -> memref<1x8x128xi32, #tpu.memory_space<hbm>>
      %dma_start3A_176 = tpu.memref_squeeze %dma_start3A_175 : memref<1x8x128xi32, #tpu.memory_space<hbm>> -> memref<8x128xi32, #tpu.memory_space<hbm>>
      tpu.enqueue_dma source(%dma_start3A_176 : memref<8x128xi32, #tpu.memory_space<hbm>>) target(%arg5 : memref<8x128xi32, #tpu.memory_space<vmem>>) target_semaphore(%run_scoped3A : memref<!tpu.dma_semaphore, #tpu.memory_space<semaphore_mem>>)
      %dma_wait3A_177 = arith.constant 0 : i32
      %dma_wait3A_178 = arith.constant 0 : i32
      %dma_wait3A_179 = tpu.memref_slice %arg3[%add3A, %dma_wait3A_177, %dma_wait3A_178] : memref<32x8x128xi32, #tpu.memory_space<hbm>> -> memref<1x8x128xi32, #tpu.memory_space<hbm>>
      %dma_wait3A_180 = tpu.memref_squeeze %dma_wait3A_179 : memref<1x8x128xi32, #tpu.memory_space<hbm>> -> memref<8x128xi32, #tpu.memory_space<hbm>>
      %dma_wait3A_181 = arith.constant 0 : i32
      %dma_wait3A_182 = arith.constant 0 : i32
      %dma_wait3A_183 = tpu.memref_slice %arg3[%add3A, %dma_wait3A_181, %dma_wait3A_182] : memref<32x8x128xi32, #tpu.memory_space<hbm>> -> memref<1x8x128xi32, #tpu.memory_space<hbm>>
      %dma_wait3A_184 = tpu.memref_squeeze %dma_wait3A_183 : memref<1x8x128xi32, #tpu.memory_space<hbm>> -> memref<8x128xi32, #tpu.memory_space<hbm>>
      tpu.wait_dma2 semaphore(%run_scoped3A : memref<!tpu.dma_semaphore, #tpu.memory_space<semaphore_mem>>) src(%dma_wait3A_184 : memref<8x128xi32, #tpu.memory_space<hbm>>) dst(%arg5 : memref<8x128xi32, #tpu.memory_space<vmem>>)
      tpu.yield
    }) : () -> ()
    %dma_start3A = arith.constant 0 : i32
    %dma_start3A_1 = arith.constant 0 : i32
    %dma_start3A_2 = arith.constant 0 : i32
    %dma_start3A_3 = tpu.memref_slice %arg6[%dma_start3A_1, %dma_start3A_2] : memref<1024x32xf32, #tpu.memory_space<vmem>> -> memref<128x32xf32, #tpu.memory_space<vmem>>
    %dma_start3A_4 = arith.constant 0 : i32
    %dma_start3A_5 = tpu.memref_slice %arg5[%dma_start3A, %dma_start3A_4] : memref<8x128xi32, #tpu.memory_space<vmem>> -> memref<1x128xi32, #tpu.memory_space<vmem>>
    %dma_start3A_6 = tpu.memref_squeeze %dma_start3A_5 : memref<1x128xi32, #tpu.memory_space<vmem>> -> memref<128xi32, #tpu.memory_space<vmem>>
    %dma_start3A_7 = arith.constant 0 : i32
    %dma_start3A_8 = arith.constant 0 : i32
    %dma_start3A_9 = tpu.memref_slice %arg2[%dma_start3A_7, %dma_start3A_8] : memref<1000000x32xf32, #tpu.memory_space<hbm>> -> memref<1000000x32xf32, #tpu.memory_space<hbm>>
    tpu.enqueue_indirect_dma source(%dma_start3A_9 : memref<1000000x32xf32, #tpu.memory_space<hbm>>) target(%dma_start3A_3 : memref<128x32xf32, #tpu.memory_space<vmem>>) offsets(%dma_start3A_6 : memref<128xi32, #tpu.memory_space<vmem>>) semaphore(%arg8 : memref<!tpu.dma_semaphore, #tpu.memory_space<semaphore_mem>>)
    %dma_start3A_10 = arith.constant 1 : i32
    %dma_start3A_11 = arith.constant 128 : i32
    %dma_start3A_12 = arith.constant 0 : i32
    %dma_start3A_13 = tpu.memref_slice %arg6[%dma_start3A_11, %dma_start3A_12] : memref<1024x32xf32, #tpu.memory_space<vmem>> -> memref<128x32xf32, #tpu.memory_space<vmem>>
    %dma_start3A_14 = arith.constant 0 : i32
    %dma_start3A_15 = tpu.memref_slice %arg5[%dma_start3A_10, %dma_start3A_14] : memref<8x128xi32, #tpu.memory_space<vmem>> -> memref<1x128xi32, #tpu.memory_space<vmem>>
    %dma_start3A_16 = tpu.memref_squeeze %dma_start3A_15 : memref<1x128xi32, #tpu.memory_space<vmem>> -> memref<128xi32, #tpu.memory_space<vmem>>
    %dma_start3A_17 = arith.constant 0 : i32
    %dma_start3A_18 = arith.constant 0 : i32
    %dma_start3A_19 = tpu.memref_slice %arg2[%dma_start3A_17, %dma_start3A_18] : memref<1000000x32xf32, #tpu.memory_space<hbm>> -> memref<1000000x32xf32, #tpu.memory_space<hbm>>
    tpu.enqueue_indirect_dma source(%dma_start3A_19 : memref<1000000x32xf32, #tpu.memory_space<hbm>>) target(%dma_start3A_13 : memref<128x32xf32, #tpu.memory_space<vmem>>) offsets(%dma_start3A_16 : memref<128xi32, #tpu.memory_space<vmem>>) semaphore(%arg8 : memref<!tpu.dma_semaphore, #tpu.memory_space<semaphore_mem>>)
    %dma_start3A_20 = arith.constant 2 : i32
    %dma_start3A_21 = arith.constant 256 : i32
    %dma_start3A_22 = arith.constant 0 : i32
    %dma_start3A_23 = tpu.memref_slice %arg6[%dma_start3A_21, %dma_start3A_22] : memref<1024x32xf32, #tpu.memory_space<vmem>> -> memref<128x32xf32, #tpu.memory_space<vmem>>
    %dma_start3A_24 = arith.constant 0 : i32
    %dma_start3A_25 = tpu.memref_slice %arg5[%dma_start3A_20, %dma_start3A_24] : memref<8x128xi32, #tpu.memory_space<vmem>> -> memref<1x128xi32, #tpu.memory_space<vmem>>
    %dma_start3A_26 = tpu.memref_squeeze %dma_start3A_25 : memref<1x128xi32, #tpu.memory_space<vmem>> -> memref<128xi32, #tpu.memory_space<vmem>>
    %dma_start3A_27 = arith.constant 0 : i32
    %dma_start3A_28 = arith.constant 0 : i32
    %dma_start3A_29 = tpu.memref_slice %arg2[%dma_start3A_27, %dma_start3A_28] : memref<1000000x32xf32, #tpu.memory_space<hbm>> -> memref<1000000x32xf32, #tpu.memory_space<hbm>>
    tpu.enqueue_indirect_dma source(%dma_start3A_29 : memref<1000000x32xf32, #tpu.memory_space<hbm>>) target(%dma_start3A_23 : memref<128x32xf32, #tpu.memory_space<vmem>>) offsets(%dma_start3A_26 : memref<128xi32, #tpu.memory_space<vmem>>) semaphore(%arg8 : memref<!tpu.dma_semaphore, #tpu.memory_space<semaphore_mem>>)
    %dma_start3A_30 = arith.constant 3 : i32
    %dma_start3A_31 = arith.constant 384 : i32
    %dma_start3A_32 = arith.constant 0 : i32
    %dma_start3A_33 = tpu.memref_slice %arg6[%dma_start3A_31, %dma_start3A_32] : memref<1024x32xf32, #tpu.memory_space<vmem>> -> memref<128x32xf32, #tpu.memory_space<vmem>>
    %dma_start3A_34 = arith.constant 0 : i32
    %dma_start3A_35 = tpu.memref_slice %arg5[%dma_start3A_30, %dma_start3A_34] : memref<8x128xi32, #tpu.memory_space<vmem>> -> memref<1x128xi32, #tpu.memory_space<vmem>>
    %dma_start3A_36 = tpu.memref_squeeze %dma_start3A_35 : memref<1x128xi32, #tpu.memory_space<vmem>> -> memref<128xi32, #tpu.memory_space<vmem>>
    %dma_start3A_37 = arith.constant 0 : i32
    %dma_start3A_38 = arith.constant 0 : i32
    %dma_start3A_39 = tpu.memref_slice %arg2[%dma_start3A_37, %dma_start3A_38] : memref<1000000x32xf32, #tpu.memory_space<hbm>> -> memref<1000000x32xf32, #tpu.memory_space<hbm>>
    tpu.enqueue_indirect_dma source(%dma_start3A_39 : memref<1000000x32xf32, #tpu.memory_space<hbm>>) target(%dma_start3A_33 : memref<128x32xf32, #tpu.memory_space<vmem>>) offsets(%dma_start3A_36 : memref<128xi32, #tpu.memory_space<vmem>>) semaphore(%arg8 : memref<!tpu.dma_semaphore, #tpu.memory_space<semaphore_mem>>)
    %dma_start3A_40 = arith.constant 4 : i32
    %dma_start3A_41 = arith.constant 512 : i32
    %dma_start3A_42 = arith.constant 0 : i32
    %dma_start3A_43 = tpu.memref_slice %arg6[%dma_start3A_41, %dma_start3A_42] : memref<1024x32xf32, #tpu.memory_space<vmem>> -> memref<128x32xf32, #tpu.memory_space<vmem>>
    %dma_start3A_44 = arith.constant 0 : i32
    %dma_start3A_45 = tpu.memref_slice %arg5[%dma_start3A_40, %dma_start3A_44] : memref<8x128xi32, #tpu.memory_space<vmem>> -> memref<1x128xi32, #tpu.memory_space<vmem>>
    %dma_start3A_46 = tpu.memref_squeeze %dma_start3A_45 : memref<1x128xi32, #tpu.memory_space<vmem>> -> memref<128xi32, #tpu.memory_space<vmem>>
    %dma_start3A_47 = arith.constant 0 : i32
    %dma_start3A_48 = arith.constant 0 : i32
    %dma_start3A_49 = tpu.memref_slice %arg2[%dma_start3A_47, %dma_start3A_48] : memref<1000000x32xf32, #tpu.memory_space<hbm>> -> memref<1000000x32xf32, #tpu.memory_space<hbm>>
    tpu.enqueue_indirect_dma source(%dma_start3A_49 : memref<1000000x32xf32, #tpu.memory_space<hbm>>) target(%dma_start3A_43 : memref<128x32xf32, #tpu.memory_space<vmem>>) offsets(%dma_start3A_46 : memref<128xi32, #tpu.memory_space<vmem>>) semaphore(%arg8 : memref<!tpu.dma_semaphore, #tpu.memory_space<semaphore_mem>>)
    %dma_start3A_50 = arith.constant 5 : i32
    %dma_start3A_51 = arith.constant 640 : i32
    %dma_start3A_52 = arith.constant 0 : i32
    %dma_start3A_53 = tpu.memref_slice %arg6[%dma_start3A_51, %dma_start3A_52] : memref<1024x32xf32, #tpu.memory_space<vmem>> -> memref<128x32xf32, #tpu.memory_space<vmem>>
    %dma_start3A_54 = arith.constant 0 : i32
    %dma_start3A_55 = tpu.memref_slice %arg5[%dma_start3A_50, %dma_start3A_54] : memref<8x128xi32, #tpu.memory_space<vmem>> -> memref<1x128xi32, #tpu.memory_space<vmem>>
    %dma_start3A_56 = tpu.memref_squeeze %dma_start3A_55 : memref<1x128xi32, #tpu.memory_space<vmem>> -> memref<128xi32, #tpu.memory_space<vmem>>
    %dma_start3A_57 = arith.constant 0 : i32
    %dma_start3A_58 = arith.constant 0 : i32
    %dma_start3A_59 = tpu.memref_slice %arg2[%dma_start3A_57, %dma_start3A_58] : memref<1000000x32xf32, #tpu.memory_space<hbm>> -> memref<1000000x32xf32, #tpu.memory_space<hbm>>
    tpu.enqueue_indirect_dma source(%dma_start3A_59 : memref<1000000x32xf32, #tpu.memory_space<hbm>>) target(%dma_start3A_53 : memref<128x32xf32, #tpu.memory_space<vmem>>) offsets(%dma_start3A_56 : memref<128xi32, #tpu.memory_space<vmem>>) semaphore(%arg8 : memref<!tpu.dma_semaphore, #tpu.memory_space<semaphore_mem>>)
    %dma_start3A_60 = arith.constant 6 : i32
    %dma_start3A_61 = arith.constant 768 : i32
    %dma_start3A_62 = arith.constant 0 : i32
    %dma_start3A_63 = tpu.memref_slice %arg6[%dma_start3A_61, %dma_start3A_62] : memref<1024x32xf32, #tpu.memory_space<vmem>> -> memref<128x32xf32, #tpu.memory_space<vmem>>
    %dma_start3A_64 = arith.constant 0 : i32
    %dma_start3A_65 = tpu.memref_slice %arg5[%dma_start3A_60, %dma_start3A_64] : memref<8x128xi32, #tpu.memory_space<vmem>> -> memref<1x128xi32, #tpu.memory_space<vmem>>
    %dma_start3A_66 = tpu.memref_squeeze %dma_start3A_65 : memref<1x128xi32, #tpu.memory_space<vmem>> -> memref<128xi32, #tpu.memory_space<vmem>>
    %dma_start3A_67 = arith.constant 0 : i32
    %dma_start3A_68 = arith.constant 0 : i32
    %dma_start3A_69 = tpu.memref_slice %arg2[%dma_start3A_67, %dma_start3A_68] : memref<1000000x32xf32, #tpu.memory_space<hbm>> -> memref<1000000x32xf32, #tpu.memory_space<hbm>>
    tpu.enqueue_indirect_dma source(%dma_start3A_69 : memref<1000000x32xf32, #tpu.memory_space<hbm>>) target(%dma_start3A_63 : memref<128x32xf32, #tpu.memory_space<vmem>>) offsets(%dma_start3A_66 : memref<128xi32, #tpu.memory_space<vmem>>) semaphore(%arg8 : memref<!tpu.dma_semaphore, #tpu.memory_space<semaphore_mem>>)
    %dma_start3A_70 = arith.constant 7 : i32
    %dma_start3A_71 = arith.constant 896 : i32
    %dma_start3A_72 = arith.constant 0 : i32
    %dma_start3A_73 = tpu.memref_slice %arg6[%dma_start3A_71, %dma_start3A_72] : memref<1024x32xf32, #tpu.memory_space<vmem>> -> memref<128x32xf32, #tpu.memory_space<vmem>>
    %dma_start3A_74 = arith.constant 0 : i32
    %dma_start3A_75 = tpu.memref_slice %arg5[%dma_start3A_70, %dma_start3A_74] : memref<8x128xi32, #tpu.memory_space<vmem>> -> memref<1x128xi32, #tpu.memory_space<vmem>>
    %dma_start3A_76 = tpu.memref_squeeze %dma_start3A_75 : memref<1x128xi32, #tpu.memory_space<vmem>> -> memref<128xi32, #tpu.memory_space<vmem>>
    %dma_start3A_77 = arith.constant 0 : i32
    %dma_start3A_78 = arith.constant 0 : i32
    %dma_start3A_79 = tpu.memref_slice %arg2[%dma_start3A_77, %dma_start3A_78] : memref<1000000x32xf32, #tpu.memory_space<hbm>> -> memref<1000000x32xf32, #tpu.memory_space<hbm>>
    tpu.enqueue_indirect_dma source(%dma_start3A_79 : memref<1000000x32xf32, #tpu.memory_space<hbm>>) target(%dma_start3A_73 : memref<128x32xf32, #tpu.memory_space<vmem>>) offsets(%dma_start3A_76 : memref<128xi32, #tpu.memory_space<vmem>>) semaphore(%arg8 : memref<!tpu.dma_semaphore, #tpu.memory_space<semaphore_mem>>)
    %dma_wait3A = arith.constant 0 : i32
    %dma_wait3A_80 = arith.constant 0 : i32
    %dma_wait3A_81 = arith.constant 0 : i32
    %dma_wait3A_82 = tpu.memref_slice %arg6[%dma_wait3A_80, %dma_wait3A_81] : memref<1024x32xf32, #tpu.memory_space<vmem>> -> memref<128x32xf32, #tpu.memory_space<vmem>>
    %dma_wait3A_83 = arith.constant 0 : i32
    %dma_wait3A_84 = tpu.memref_slice %arg5[%dma_wait3A, %dma_wait3A_83] : memref<8x128xi32, #tpu.memory_space<vmem>> -> memref<1x128xi32, #tpu.memory_space<vmem>>
    %dma_wait3A_85 = tpu.memref_squeeze %dma_wait3A_84 : memref<1x128xi32, #tpu.memory_space<vmem>> -> memref<128xi32, #tpu.memory_space<vmem>>
    %dma_wait3A_86 = arith.constant 0 : i32
    %dma_wait3A_87 = arith.constant 0 : i32
    %dma_wait3A_88 = tpu.memref_slice %arg2[%dma_wait3A_86, %dma_wait3A_87] : memref<1000000x32xf32, #tpu.memory_space<hbm>> -> memref<1000000x32xf32, #tpu.memory_space<hbm>>
    tpu.wait_indirect_dma semaphore(%arg8 : memref<!tpu.dma_semaphore, #tpu.memory_space<semaphore_mem>>) src(%dma_wait3A_88 : memref<1000000x32xf32, #tpu.memory_space<hbm>>) dst(%dma_wait3A_82 : memref<128x32xf32, #tpu.memory_space<vmem>>)
    %dma_wait3A_89 = arith.constant 1 : i32
    %dma_wait3A_90 = arith.constant 128 : i32
    %dma_wait3A_91 = arith.constant 0 : i32
    %dma_wait3A_92 = tpu.memref_slice %arg6[%dma_wait3A_90, %dma_wait3A_91] : memref<1024x32xf32, #tpu.memory_space<vmem>> -> memref<128x32xf32, #tpu.memory_space<vmem>>
    %dma_wait3A_93 = arith.constant 0 : i32
    %dma_wait3A_94 = tpu.memref_slice %arg5[%dma_wait3A_89, %dma_wait3A_93] : memref<8x128xi32, #tpu.memory_space<vmem>> -> memref<1x128xi32, #tpu.memory_space<vmem>>
    %dma_wait3A_95 = tpu.memref_squeeze %dma_wait3A_94 : memref<1x128xi32, #tpu.memory_space<vmem>> -> memref<128xi32, #tpu.memory_space<vmem>>
    %dma_wait3A_96 = arith.constant 0 : i32
    %dma_wait3A_97 = arith.constant 0 : i32
    %dma_wait3A_98 = tpu.memref_slice %arg2[%dma_wait3A_96, %dma_wait3A_97] : memref<1000000x32xf32, #tpu.memory_space<hbm>> -> memref<1000000x32xf32, #tpu.memory_space<hbm>>
    tpu.wait_indirect_dma semaphore(%arg8 : memref<!tpu.dma_semaphore, #tpu.memory_space<semaphore_mem>>) src(%dma_wait3A_98 : memref<1000000x32xf32, #tpu.memory_space<hbm>>) dst(%dma_wait3A_92 : memref<128x32xf32, #tpu.memory_space<vmem>>)
    %dma_wait3A_99 = arith.constant 2 : i32
    %dma_wait3A_100 = arith.constant 256 : i32
    %dma_wait3A_101 = arith.constant 0 : i32
    %dma_wait3A_102 = tpu.memref_slice %arg6[%dma_wait3A_100, %dma_wait3A_101] : memref<1024x32xf32, #tpu.memory_space<vmem>> -> memref<128x32xf32, #tpu.memory_space<vmem>>
    %dma_wait3A_103 = arith.constant 0 : i32
    %dma_wait3A_104 = tpu.memref_slice %arg5[%dma_wait3A_99, %dma_wait3A_103] : memref<8x128xi32, #tpu.memory_space<vmem>> -> memref<1x128xi32, #tpu.memory_space<vmem>>
    %dma_wait3A_105 = tpu.memref_squeeze %dma_wait3A_104 : memref<1x128xi32, #tpu.memory_space<vmem>> -> memref<128xi32, #tpu.memory_space<vmem>>
    %dma_wait3A_106 = arith.constant 0 : i32
    %dma_wait3A_107 = arith.constant 0 : i32
    %dma_wait3A_108 = tpu.memref_slice %arg2[%dma_wait3A_106, %dma_wait3A_107] : memref<1000000x32xf32, #tpu.memory_space<hbm>> -> memref<1000000x32xf32, #tpu.memory_space<hbm>>
    tpu.wait_indirect_dma semaphore(%arg8 : memref<!tpu.dma_semaphore, #tpu.memory_space<semaphore_mem>>) src(%dma_wait3A_108 : memref<1000000x32xf32, #tpu.memory_space<hbm>>) dst(%dma_wait3A_102 : memref<128x32xf32, #tpu.memory_space<vmem>>)
    %dma_wait3A_109 = arith.constant 3 : i32
    %dma_wait3A_110 = arith.constant 384 : i32
    %dma_wait3A_111 = arith.constant 0 : i32
    %dma_wait3A_112 = tpu.memref_slice %arg6[%dma_wait3A_110, %dma_wait3A_111] : memref<1024x32xf32, #tpu.memory_space<vmem>> -> memref<128x32xf32, #tpu.memory_space<vmem>>
    %dma_wait3A_113 = arith.constant 0 : i32
    %dma_wait3A_114 = tpu.memref_slice %arg5[%dma_wait3A_109, %dma_wait3A_113] : memref<8x128xi32, #tpu.memory_space<vmem>> -> memref<1x128xi32, #tpu.memory_space<vmem>>
    %dma_wait3A_115 = tpu.memref_squeeze %dma_wait3A_114 : memref<1x128xi32, #tpu.memory_space<vmem>> -> memref<128xi32, #tpu.memory_space<vmem>>
    %dma_wait3A_116 = arith.constant 0 : i32
    %dma_wait3A_117 = arith.constant 0 : i32
    %dma_wait3A_118 = tpu.memref_slice %arg2[%dma_wait3A_116, %dma_wait3A_117] : memref<1000000x32xf32, #tpu.memory_space<hbm>> -> memref<1000000x32xf32, #tpu.memory_space<hbm>>
    tpu.wait_indirect_dma semaphore(%arg8 : memref<!tpu.dma_semaphore, #tpu.memory_space<semaphore_mem>>) src(%dma_wait3A_118 : memref<1000000x32xf32, #tpu.memory_space<hbm>>) dst(%dma_wait3A_112 : memref<128x32xf32, #tpu.memory_space<vmem>>)
    %dma_wait3A_119 = arith.constant 4 : i32
    %dma_wait3A_120 = arith.constant 512 : i32
    %dma_wait3A_121 = arith.constant 0 : i32
    %dma_wait3A_122 = tpu.memref_slice %arg6[%dma_wait3A_120, %dma_wait3A_121] : memref<1024x32xf32, #tpu.memory_space<vmem>> -> memref<128x32xf32, #tpu.memory_space<vmem>>
    %dma_wait3A_123 = arith.constant 0 : i32
    %dma_wait3A_124 = tpu.memref_slice %arg5[%dma_wait3A_119, %dma_wait3A_123] : memref<8x128xi32, #tpu.memory_space<vmem>> -> memref<1x128xi32, #tpu.memory_space<vmem>>
    %dma_wait3A_125 = tpu.memref_squeeze %dma_wait3A_124 : memref<1x128xi32, #tpu.memory_space<vmem>> -> memref<128xi32, #tpu.memory_space<vmem>>
    %dma_wait3A_126 = arith.constant 0 : i32
    %dma_wait3A_127 = arith.constant 0 : i32
    %dma_wait3A_128 = tpu.memref_slice %arg2[%dma_wait3A_126, %dma_wait3A_127] : memref<1000000x32xf32, #tpu.memory_space<hbm>> -> memref<1000000x32xf32, #tpu.memory_space<hbm>>
    tpu.wait_indirect_dma semaphore(%arg8 : memref<!tpu.dma_semaphore, #tpu.memory_space<semaphore_mem>>) src(%dma_wait3A_128 : memref<1000000x32xf32, #tpu.memory_space<hbm>>) dst(%dma_wait3A_122 : memref<128x32xf32, #tpu.memory_space<vmem>>)
    %dma_wait3A_129 = arith.constant 5 : i32
    %dma_wait3A_130 = arith.constant 640 : i32
    %dma_wait3A_131 = arith.constant 0 : i32
    %dma_wait3A_132 = tpu.memref_slice %arg6[%dma_wait3A_130, %dma_wait3A_131] : memref<1024x32xf32, #tpu.memory_space<vmem>> -> memref<128x32xf32, #tpu.memory_space<vmem>>
    %dma_wait3A_133 = arith.constant 0 : i32
    %dma_wait3A_134 = tpu.memref_slice %arg5[%dma_wait3A_129, %dma_wait3A_133] : memref<8x128xi32, #tpu.memory_space<vmem>> -> memref<1x128xi32, #tpu.memory_space<vmem>>
    %dma_wait3A_135 = tpu.memref_squeeze %dma_wait3A_134 : memref<1x128xi32, #tpu.memory_space<vmem>> -> memref<128xi32, #tpu.memory_space<vmem>>
    %dma_wait3A_136 = arith.constant 0 : i32
    %dma_wait3A_137 = arith.constant 0 : i32
    %dma_wait3A_138 = tpu.memref_slice %arg2[%dma_wait3A_136, %dma_wait3A_137] : memref<1000000x32xf32, #tpu.memory_space<hbm>> -> memref<1000000x32xf32, #tpu.memory_space<hbm>>
    tpu.wait_indirect_dma semaphore(%arg8 : memref<!tpu.dma_semaphore, #tpu.memory_space<semaphore_mem>>) src(%dma_wait3A_138 : memref<1000000x32xf32, #tpu.memory_space<hbm>>) dst(%dma_wait3A_132 : memref<128x32xf32, #tpu.memory_space<vmem>>)
    %dma_wait3A_139 = arith.constant 6 : i32
    %dma_wait3A_140 = arith.constant 768 : i32
    %dma_wait3A_141 = arith.constant 0 : i32
    %dma_wait3A_142 = tpu.memref_slice %arg6[%dma_wait3A_140, %dma_wait3A_141] : memref<1024x32xf32, #tpu.memory_space<vmem>> -> memref<128x32xf32, #tpu.memory_space<vmem>>
    %dma_wait3A_143 = arith.constant 0 : i32
    %dma_wait3A_144 = tpu.memref_slice %arg5[%dma_wait3A_139, %dma_wait3A_143] : memref<8x128xi32, #tpu.memory_space<vmem>> -> memref<1x128xi32, #tpu.memory_space<vmem>>
    %dma_wait3A_145 = tpu.memref_squeeze %dma_wait3A_144 : memref<1x128xi32, #tpu.memory_space<vmem>> -> memref<128xi32, #tpu.memory_space<vmem>>
    %dma_wait3A_146 = arith.constant 0 : i32
    %dma_wait3A_147 = arith.constant 0 : i32
    %dma_wait3A_148 = tpu.memref_slice %arg2[%dma_wait3A_146, %dma_wait3A_147] : memref<1000000x32xf32, #tpu.memory_space<hbm>> -> memref<1000000x32xf32, #tpu.memory_space<hbm>>
    tpu.wait_indirect_dma semaphore(%arg8 : memref<!tpu.dma_semaphore, #tpu.memory_space<semaphore_mem>>) src(%dma_wait3A_148 : memref<1000000x32xf32, #tpu.memory_space<hbm>>) dst(%dma_wait3A_142 : memref<128x32xf32, #tpu.memory_space<vmem>>)
    %dma_wait3A_149 = arith.constant 7 : i32
    %dma_wait3A_150 = arith.constant 896 : i32
    %dma_wait3A_151 = arith.constant 0 : i32
    %dma_wait3A_152 = tpu.memref_slice %arg6[%dma_wait3A_150, %dma_wait3A_151] : memref<1024x32xf32, #tpu.memory_space<vmem>> -> memref<128x32xf32, #tpu.memory_space<vmem>>
    %dma_wait3A_153 = arith.constant 0 : i32
    %dma_wait3A_154 = tpu.memref_slice %arg5[%dma_wait3A_149, %dma_wait3A_153] : memref<8x128xi32, #tpu.memory_space<vmem>> -> memref<1x128xi32, #tpu.memory_space<vmem>>
    %dma_wait3A_155 = tpu.memref_squeeze %dma_wait3A_154 : memref<1x128xi32, #tpu.memory_space<vmem>> -> memref<128xi32, #tpu.memory_space<vmem>>
    %dma_wait3A_156 = arith.constant 0 : i32
    %dma_wait3A_157 = arith.constant 0 : i32
    %dma_wait3A_158 = tpu.memref_slice %arg2[%dma_wait3A_156, %dma_wait3A_157] : memref<1000000x32xf32, #tpu.memory_space<hbm>> -> memref<1000000x32xf32, #tpu.memory_space<hbm>>
    tpu.wait_indirect_dma semaphore(%arg8 : memref<!tpu.dma_semaphore, #tpu.memory_space<semaphore_mem>>) src(%dma_wait3A_158 : memref<1000000x32xf32, #tpu.memory_space<hbm>>) dst(%dma_wait3A_152 : memref<128x32xf32, #tpu.memory_space<vmem>>)
    %iota3A = tpu.iota {dimensions = array<i32: 0>} : vector<16xi32>
    %mul3A_159 = arith.constant 2 : i32
    %mul3A_160 = vector.broadcast %mul3A_159 : i32 to vector<16xi32>
    %mul3A_161 = arith.muli %iota3A, %mul3A_160 : vector<16xi32>
    %scan3A = arith.constant 0 : i32
    %scan3A_162 = arith.constant 0 : i32
    %scan3A_163 = arith.constant 32 : i32
    %scan3A_164 = arith.addi %scan3A_162, %scan3A_163 : i32
    %scan3A_165 = arith.constant 1 : i32
    scf.for %scan3A_169 = %scan3A_162 to %scan3A_164 step %scan3A_165  : i32 {
      %mul3A_170 = arith.constant 32 : i32
      %mul3A_171 = arith.muli %scan3A_169, %mul3A_170 : i32
      %add3A_172 = vector.broadcast %mul3A_171 : i32 to vector<16xi32>
      %add3A_173 = arith.addi %mul3A_161, %add3A_172 : vector<16xi32>
      %add3A_174 = arith.constant 1 : i32
      %add3A_175 = vector.broadcast %add3A_174 : i32 to vector<16xi32>
      %add3A_176 = arith.addi %add3A_173, %add3A_175 : vector<16xi32>
      %broadcast_in_dim3A = arith.constant 0.000000e+00 : f32
      %broadcast_in_dim3A_177 = vector.broadcast %broadcast_in_dim3A : f32 to vector<16xf32>
      %broadcast_in_dim3A_178 = arith.constant 0 : i32
      %broadcast_in_dim3A_179 = vector.broadcast %broadcast_in_dim3A_178 : i32 to vector<16xi32>
      %gather3A = tpu.vector_load_idx %arg6[%add3A_173, %broadcast_in_dim3A_179] : memref<1024x32xf32, #tpu.memory_space<vmem>>[vector<16xi32>, vector<16xi32>], vector<16xf32>,
      %gather3A_180 = tpu.vector_load_idx %arg6[%add3A_176, %broadcast_in_dim3A_179] : memref<1024x32xf32, #tpu.memory_space<vmem>>[vector<16xi32>, vector<16xi32>], vector<16xf32>,
      %mul3A_181 = arith.mulf %gather3A, %gather3A_180 : vector<16xf32>
      %add3A_182 = arith.addf %broadcast_in_dim3A_177, %mul3A_181 : vector<16xf32>
      %broadcast_in_dim3A_183 = arith.constant 1 : i32
      %broadcast_in_dim3A_184 = vector.broadcast %broadcast_in_dim3A_183 : i32 to vector<16xi32>
      %gather3A_185 = tpu.vector_load_idx %arg6[%add3A_173, %broadcast_in_dim3A_184] : memref<1024x32xf32, #tpu.memory_space<vmem>>[vector<16xi32>, vector<16xi32>], vector<16xf32>,
      %gather3A_186 = tpu.vector_load_idx %arg6[%add3A_176, %broadcast_in_dim3A_184] : memref<1024x32xf32, #tpu.memory_space<vmem>>[vector<16xi32>, vector<16xi32>], vector<16xf32>,
      %mul3A_187 = arith.mulf %gather3A_185, %gather3A_186 : vector<16xf32>
      %add3A_188 = arith.addf %add3A_182, %mul3A_187 : vector<16xf32>
      %broadcast_in_dim3A_189 = arith.constant 2 : i32
      %broadcast_in_dim3A_190 = vector.broadcast %broadcast_in_dim3A_189 : i32 to vector<16xi32>
      %gather3A_191 = tpu.vector_load_idx %arg6[%add3A_173, %broadcast_in_dim3A_190] : memref<1024x32xf32, #tpu.memory_space<vmem>>[vector<16xi32>, vector<16xi32>], vector<16xf32>,
      %gather3A_192 = tpu.vector_load_idx %arg6[%add3A_176, %broadcast_in_dim3A_190] : memref<1024x32xf32, #tpu.memory_space<vmem>>[vector<16xi32>, vector<16xi32>], vector<16xf32>,
      %mul3A_193 = arith.mulf %gather3A_191, %gather3A_192 : vector<16xf32>
      %add3A_194 = arith.addf %add3A_188, %mul3A_193 : vector<16xf32>
      %broadcast_in_dim3A_195 = arith.constant 3 : i32
      %broadcast_in_dim3A_196 = vector.broadcast %broadcast_in_dim3A_195 : i32 to vector<16xi32>
      %gather3A_197 = tpu.vector_load_idx %arg6[%add3A_173, %broadcast_in_dim3A_196] : memref<1024x32xf32, #tpu.memory_space<vmem>>[vector<16xi32>, vector<16xi32>], vector<16xf32>,
      %gather3A_198 = tpu.vector_load_idx %arg6[%add3A_176, %broadcast_in_dim3A_196] : memref<1024x32xf32, #tpu.memory_space<vmem>>[vector<16xi32>, vector<16xi32>], vector<16xf32>,
      %mul3A_199 = arith.mulf %gather3A_197, %gather3A_198 : vector<16xf32>
      %add3A_200 = arith.addf %add3A_194, %mul3A_199 : vector<16xf32>
      %broadcast_in_dim3A_201 = arith.constant 4 : i32
      %broadcast_in_dim3A_202 = vector.broadcast %broadcast_in_dim3A_201 : i32 to vector<16xi32>
      %gather3A_203 = tpu.vector_load_idx %arg6[%add3A_173, %broadcast_in_dim3A_202] : memref<1024x32xf32, #tpu.memory_space<vmem>>[vector<16xi32>, vector<16xi32>], vector<16xf32>,
      %gather3A_204 = tpu.vector_load_idx %arg6[%add3A_176, %broadcast_in_dim3A_202] : memref<1024x32xf32, #tpu.memory_space<vmem>>[vector<16xi32>, vector<16xi32>], vector<16xf32>,
      %mul3A_205 = arith.mulf %gather3A_203, %gather3A_204 : vector<16xf32>
      %add3A_206 = arith.addf %add3A_200, %mul3A_205 : vector<16xf32>
      %broadcast_in_dim3A_207 = arith.constant 5 : i32
      %broadcast_in_dim3A_208 = vector.broadcast %broadcast_in_dim3A_207 : i32 to vector<16xi32>
      %gather3A_209 = tpu.vector_load_idx %arg6[%add3A_173, %broadcast_in_dim3A_208] : memref<1024x32xf32, #tpu.memory_space<vmem>>[vector<16xi32>, vector<16xi32>], vector<16xf32>,
      %gather3A_210 = tpu.vector_load_idx %arg6[%add3A_176, %broadcast_in_dim3A_208] : memref<1024x32xf32, #tpu.memory_space<vmem>>[vector<16xi32>, vector<16xi32>], vector<16xf32>,
      %mul3A_211 = arith.mulf %gather3A_209, %gather3A_210 : vector<16xf32>
      %add3A_212 = arith.addf %add3A_206, %mul3A_211 : vector<16xf32>
      %broadcast_in_dim3A_213 = arith.constant 6 : i32
      %broadcast_in_dim3A_214 = vector.broadcast %broadcast_in_dim3A_213 : i32 to vector<16xi32>
      %gather3A_215 = tpu.vector_load_idx %arg6[%add3A_173, %broadcast_in_dim3A_214] : memref<1024x32xf32, #tpu.memory_space<vmem>>[vector<16xi32>, vector<16xi32>], vector<16xf32>,
      %gather3A_216 = tpu.vector_load_idx %arg6[%add3A_176, %broadcast_in_dim3A_214] : memref<1024x32xf32, #tpu.memory_space<vmem>>[vector<16xi32>, vector<16xi32>], vector<16xf32>,
      %mul3A_217 = arith.mulf %gather3A_215, %gather3A_216 : vector<16xf32>
      %add3A_218 = arith.addf %add3A_212, %mul3A_217 : vector<16xf32>
      %broadcast_in_dim3A_219 = arith.constant 7 : i32
      %broadcast_in_dim3A_220 = vector.broadcast %broadcast_in_dim3A_219 : i32 to vector<16xi32>
      %gather3A_221 = tpu.vector_load_idx %arg6[%add3A_173, %broadcast_in_dim3A_220] : memref<1024x32xf32, #tpu.memory_space<vmem>>[vector<16xi32>, vector<16xi32>], vector<16xf32>,
      %gather3A_222 = tpu.vector_load_idx %arg6[%add3A_176, %broadcast_in_dim3A_220] : memref<1024x32xf32, #tpu.memory_space<vmem>>[vector<16xi32>, vector<16xi32>], vector<16xf32>,
      %mul3A_223 = arith.mulf %gather3A_221, %gather3A_222 : vector<16xf32>
      %add3A_224 = arith.addf %add3A_218, %mul3A_223 : vector<16xf32>
      %broadcast_in_dim3A_225 = arith.constant 8 : i32
      %broadcast_in_dim3A_226 = vector.broadcast %broadcast_in_dim3A_225 : i32 to vector<16xi32>
      %gather3A_227 = tpu.vector_load_idx %arg6[%add3A_173, %broadcast_in_dim3A_226] : memref<1024x32xf32, #tpu.memory_space<vmem>>[vector<16xi32>, vector<16xi32>], vector<16xf32>,
      %gather3A_228 = tpu.vector_load_idx %arg6[%add3A_176, %broadcast_in_dim3A_226] : memref<1024x32xf32, #tpu.memory_space<vmem>>[vector<16xi32>, vector<16xi32>], vector<16xf32>,
      %mul3A_229 = arith.mulf %gather3A_227, %gather3A_228 : vector<16xf32>
      %add3A_230 = arith.addf %add3A_224, %mul3A_229 : vector<16xf32>
      %broadcast_in_dim3A_231 = arith.constant 9 : i32
      %broadcast_in_dim3A_232 = vector.broadcast %broadcast_in_dim3A_231 : i32 to vector<16xi32>
      %gather3A_233 = tpu.vector_load_idx %arg6[%add3A_173, %broadcast_in_dim3A_232] : memref<1024x32xf32, #tpu.memory_space<vmem>>[vector<16xi32>, vector<16xi32>], vector<16xf32>,
      %gather3A_234 = tpu.vector_load_idx %arg6[%add3A_176, %broadcast_in_dim3A_232] : memref<1024x32xf32, #tpu.memory_space<vmem>>[vector<16xi32>, vector<16xi32>], vector<16xf32>,
      %mul3A_235 = arith.mulf %gather3A_233, %gather3A_234 : vector<16xf32>
      %add3A_236 = arith.addf %add3A_230, %mul3A_235 : vector<16xf32>
      %broadcast_in_dim3A_237 = arith.constant 10 : i32
      %broadcast_in_dim3A_238 = vector.broadcast %broadcast_in_dim3A_237 : i32 to vector<16xi32>
      %gather3A_239 = tpu.vector_load_idx %arg6[%add3A_173, %broadcast_in_dim3A_238] : memref<1024x32xf32, #tpu.memory_space<vmem>>[vector<16xi32>, vector<16xi32>], vector<16xf32>,
      %gather3A_240 = tpu.vector_load_idx %arg6[%add3A_176, %broadcast_in_dim3A_238] : memref<1024x32xf32, #tpu.memory_space<vmem>>[vector<16xi32>, vector<16xi32>], vector<16xf32>,
      %mul3A_241 = arith.mulf %gather3A_239, %gather3A_240 : vector<16xf32>
      %add3A_242 = arith.addf %add3A_236, %mul3A_241 : vector<16xf32>
      %broadcast_in_dim3A_243 = arith.constant 11 : i32
      %broadcast_in_dim3A_244 = vector.broadcast %broadcast_in_dim3A_243 : i32 to vector<16xi32>
      %gather3A_245 = tpu.vector_load_idx %arg6[%add3A_173, %broadcast_in_dim3A_244] : memref<1024x32xf32, #tpu.memory_space<vmem>>[vector<16xi32>, vector<16xi32>], vector<16xf32>,
      %gather3A_246 = tpu.vector_load_idx %arg6[%add3A_176, %broadcast_in_dim3A_244] : memref<1024x32xf32, #tpu.memory_space<vmem>>[vector<16xi32>, vector<16xi32>], vector<16xf32>,
      %mul3A_247 = arith.mulf %gather3A_245, %gather3A_246 : vector<16xf32>
      %add3A_248 = arith.addf %add3A_242, %mul3A_247 : vector<16xf32>
      %broadcast_in_dim3A_249 = arith.constant 12 : i32
      %broadcast_in_dim3A_250 = vector.broadcast %broadcast_in_dim3A_249 : i32 to vector<16xi32>
      %gather3A_251 = tpu.vector_load_idx %arg6[%add3A_173, %broadcast_in_dim3A_250] : memref<1024x32xf32, #tpu.memory_space<vmem>>[vector<16xi32>, vector<16xi32>], vector<16xf32>,
      %gather3A_252 = tpu.vector_load_idx %arg6[%add3A_176, %broadcast_in_dim3A_250] : memref<1024x32xf32, #tpu.memory_space<vmem>>[vector<16xi32>, vector<16xi32>], vector<16xf32>,
      %mul3A_253 = arith.mulf %gather3A_251, %gather3A_252 : vector<16xf32>
      %add3A_254 = arith.addf %add3A_248, %mul3A_253 : vector<16xf32>
      %broadcast_in_dim3A_255 = arith.constant 13 : i32
      %broadcast_in_dim3A_256 = vector.broadcast %broadcast_in_dim3A_255 : i32 to vector<16xi32>
      %gather3A_257 = tpu.vector_load_idx %arg6[%add3A_173, %broadcast_in_dim3A_256] : memref<1024x32xf32, #tpu.memory_space<vmem>>[vector<16xi32>, vector<16xi32>], vector<16xf32>,
      %gather3A_258 = tpu.vector_load_idx %arg6[%add3A_176, %broadcast_in_dim3A_256] : memref<1024x32xf32, #tpu.memory_space<vmem>>[vector<16xi32>, vector<16xi32>], vector<16xf32>,
      %mul3A_259 = arith.mulf %gather3A_257, %gather3A_258 : vector<16xf32>
      %add3A_260 = arith.addf %add3A_254, %mul3A_259 : vector<16xf32>
      %broadcast_in_dim3A_261 = arith.constant 14 : i32
      %broadcast_in_dim3A_262 = vector.broadcast %broadcast_in_dim3A_261 : i32 to vector<16xi32>
      %gather3A_263 = tpu.vector_load_idx %arg6[%add3A_173, %broadcast_in_dim3A_262] : memref<1024x32xf32, #tpu.memory_space<vmem>>[vector<16xi32>, vector<16xi32>], vector<16xf32>,
      %gather3A_264 = tpu.vector_load_idx %arg6[%add3A_176, %broadcast_in_dim3A_262] : memref<1024x32xf32, #tpu.memory_space<vmem>>[vector<16xi32>, vector<16xi32>], vector<16xf32>,
      %mul3A_265 = arith.mulf %gather3A_263, %gather3A_264 : vector<16xf32>
      %add3A_266 = arith.addf %add3A_260, %mul3A_265 : vector<16xf32>
      %broadcast_in_dim3A_267 = arith.constant 15 : i32
      %broadcast_in_dim3A_268 = vector.broadcast %broadcast_in_dim3A_267 : i32 to vector<16xi32>
      %gather3A_269 = tpu.vector_load_idx %arg6[%add3A_173, %broadcast_in_dim3A_268] : memref<1024x32xf32, #tpu.memory_space<vmem>>[vector<16xi32>, vector<16xi32>], vector<16xf32>,
      %gather3A_270 = tpu.vector_load_idx %arg6[%add3A_176, %broadcast_in_dim3A_268] : memref<1024x32xf32, #tpu.memory_space<vmem>>[vector<16xi32>, vector<16xi32>], vector<16xf32>,
      %mul3A_271 = arith.mulf %gather3A_269, %gather3A_270 : vector<16xf32>
      %add3A_272 = arith.addf %add3A_266, %mul3A_271 : vector<16xf32>
      %broadcast_in_dim3A_273 = arith.constant 16 : i32
      %broadcast_in_dim3A_274 = vector.broadcast %broadcast_in_dim3A_273 : i32 to vector<16xi32>
      %gather3A_275 = tpu.vector_load_idx %arg6[%add3A_173, %broadcast_in_dim3A_274] : memref<1024x32xf32, #tpu.memory_space<vmem>>[vector<16xi32>, vector<16xi32>], vector<16xf32>,
      %gather3A_276 = tpu.vector_load_idx %arg6[%add3A_176, %broadcast_in_dim3A_274] : memref<1024x32xf32, #tpu.memory_space<vmem>>[vector<16xi32>, vector<16xi32>], vector<16xf32>,
      %mul3A_277 = arith.mulf %gather3A_275, %gather3A_276 : vector<16xf32>
      %add3A_278 = arith.addf %add3A_272, %mul3A_277 : vector<16xf32>
      %broadcast_in_dim3A_279 = arith.constant 17 : i32
      %broadcast_in_dim3A_280 = vector.broadcast %broadcast_in_dim3A_279 : i32 to vector<16xi32>
      %gather3A_281 = tpu.vector_load_idx %arg6[%add3A_173, %broadcast_in_dim3A_280] : memref<1024x32xf32, #tpu.memory_space<vmem>>[vector<16xi32>, vector<16xi32>], vector<16xf32>,
      %gather3A_282 = tpu.vector_load_idx %arg6[%add3A_176, %broadcast_in_dim3A_280] : memref<1024x32xf32, #tpu.memory_space<vmem>>[vector<16xi32>, vector<16xi32>], vector<16xf32>,
      %mul3A_283 = arith.mulf %gather3A_281, %gather3A_282 : vector<16xf32>
      %add3A_284 = arith.addf %add3A_278, %mul3A_283 : vector<16xf32>
      %broadcast_in_dim3A_285 = arith.constant 18 : i32
      %broadcast_in_dim3A_286 = vector.broadcast %broadcast_in_dim3A_285 : i32 to vector<16xi32>
      %gather3A_287 = tpu.vector_load_idx %arg6[%add3A_173, %broadcast_in_dim3A_286] : memref<1024x32xf32, #tpu.memory_space<vmem>>[vector<16xi32>, vector<16xi32>], vector<16xf32>,
      %gather3A_288 = tpu.vector_load_idx %arg6[%add3A_176, %broadcast_in_dim3A_286] : memref<1024x32xf32, #tpu.memory_space<vmem>>[vector<16xi32>, vector<16xi32>], vector<16xf32>,
      %mul3A_289 = arith.mulf %gather3A_287, %gather3A_288 : vector<16xf32>
      %add3A_290 = arith.addf %add3A_284, %mul3A_289 : vector<16xf32>
      %broadcast_in_dim3A_291 = arith.constant 19 : i32
      %broadcast_in_dim3A_292 = vector.broadcast %broadcast_in_dim3A_291 : i32 to vector<16xi32>
      %gather3A_293 = tpu.vector_load_idx %arg6[%add3A_173, %broadcast_in_dim3A_292] : memref<1024x32xf32, #tpu.memory_space<vmem>>[vector<16xi32>, vector<16xi32>], vector<16xf32>,
      %gather3A_294 = tpu.vector_load_idx %arg6[%add3A_176, %broadcast_in_dim3A_292] : memref<1024x32xf32, #tpu.memory_space<vmem>>[vector<16xi32>, vector<16xi32>], vector<16xf32>,
      %mul3A_295 = arith.mulf %gather3A_293, %gather3A_294 : vector<16xf32>
      %add3A_296 = arith.addf %add3A_290, %mul3A_295 : vector<16xf32>
      %broadcast_in_dim3A_297 = arith.constant 20 : i32
      %broadcast_in_dim3A_298 = vector.broadcast %broadcast_in_dim3A_297 : i32 to vector<16xi32>
      %gather3A_299 = tpu.vector_load_idx %arg6[%add3A_173, %broadcast_in_dim3A_298] : memref<1024x32xf32, #tpu.memory_space<vmem>>[vector<16xi32>, vector<16xi32>], vector<16xf32>,
      %gather3A_300 = tpu.vector_load_idx %arg6[%add3A_176, %broadcast_in_dim3A_298] : memref<1024x32xf32, #tpu.memory_space<vmem>>[vector<16xi32>, vector<16xi32>], vector<16xf32>,
      %mul3A_301 = arith.mulf %gather3A_299, %gather3A_300 : vector<16xf32>
      %add3A_302 = arith.addf %add3A_296, %mul3A_301 : vector<16xf32>
      %broadcast_in_dim3A_303 = arith.constant 21 : i32
      %broadcast_in_dim3A_304 = vector.broadcast %broadcast_in_dim3A_303 : i32 to vector<16xi32>
      %gather3A_305 = tpu.vector_load_idx %arg6[%add3A_173, %broadcast_in_dim3A_304] : memref<1024x32xf32, #tpu.memory_space<vmem>>[vector<16xi32>, vector<16xi32>], vector<16xf32>,
      %gather3A_306 = tpu.vector_load_idx %arg6[%add3A_176, %broadcast_in_dim3A_304] : memref<1024x32xf32, #tpu.memory_space<vmem>>[vector<16xi32>, vector<16xi32>], vector<16xf32>,
      %mul3A_307 = arith.mulf %gather3A_305, %gather3A_306 : vector<16xf32>
      %add3A_308 = arith.addf %add3A_302, %mul3A_307 : vector<16xf32>
      %broadcast_in_dim3A_309 = arith.constant 22 : i32
      %broadcast_in_dim3A_310 = vector.broadcast %broadcast_in_dim3A_309 : i32 to vector<16xi32>
      %gather3A_311 = tpu.vector_load_idx %arg6[%add3A_173, %broadcast_in_dim3A_310] : memref<1024x32xf32, #tpu.memory_space<vmem>>[vector<16xi32>, vector<16xi32>], vector<16xf32>,
      %gather3A_312 = tpu.vector_load_idx %arg6[%add3A_176, %broadcast_in_dim3A_310] : memref<1024x32xf32, #tpu.memory_space<vmem>>[vector<16xi32>, vector<16xi32>], vector<16xf32>,
      %mul3A_313 = arith.mulf %gather3A_311, %gather3A_312 : vector<16xf32>
      %add3A_314 = arith.addf %add3A_308, %mul3A_313 : vector<16xf32>
      %broadcast_in_dim3A_315 = arith.constant 23 : i32
      %broadcast_in_dim3A_316 = vector.broadcast %broadcast_in_dim3A_315 : i32 to vector<16xi32>
      %gather3A_317 = tpu.vector_load_idx %arg6[%add3A_173, %broadcast_in_dim3A_316] : memref<1024x32xf32, #tpu.memory_space<vmem>>[vector<16xi32>, vector<16xi32>], vector<16xf32>,
      %gather3A_318 = tpu.vector_load_idx %arg6[%add3A_176, %broadcast_in_dim3A_316] : memref<1024x32xf32, #tpu.memory_space<vmem>>[vector<16xi32>, vector<16xi32>], vector<16xf32>,
      %mul3A_319 = arith.mulf %gather3A_317, %gather3A_318 : vector<16xf32>
      %add3A_320 = arith.addf %add3A_314, %mul3A_319 : vector<16xf32>
      %broadcast_in_dim3A_321 = arith.constant 24 : i32
      %broadcast_in_dim3A_322 = vector.broadcast %broadcast_in_dim3A_321 : i32 to vector<16xi32>
      %gather3A_323 = tpu.vector_load_idx %arg6[%add3A_173, %broadcast_in_dim3A_322] : memref<1024x32xf32, #tpu.memory_space<vmem>>[vector<16xi32>, vector<16xi32>], vector<16xf32>,
      %gather3A_324 = tpu.vector_load_idx %arg6[%add3A_176, %broadcast_in_dim3A_322] : memref<1024x32xf32, #tpu.memory_space<vmem>>[vector<16xi32>, vector<16xi32>], vector<16xf32>,
      %mul3A_325 = arith.mulf %gather3A_323, %gather3A_324 : vector<16xf32>
      %add3A_326 = arith.addf %add3A_320, %mul3A_325 : vector<16xf32>
      %broadcast_in_dim3A_327 = arith.constant 25 : i32
      %broadcast_in_dim3A_328 = vector.broadcast %broadcast_in_dim3A_327 : i32 to vector<16xi32>
      %gather3A_329 = tpu.vector_load_idx %arg6[%add3A_173, %broadcast_in_dim3A_328] : memref<1024x32xf32, #tpu.memory_space<vmem>>[vector<16xi32>, vector<16xi32>], vector<16xf32>,
      %gather3A_330 = tpu.vector_load_idx %arg6[%add3A_176, %broadcast_in_dim3A_328] : memref<1024x32xf32, #tpu.memory_space<vmem>>[vector<16xi32>, vector<16xi32>], vector<16xf32>,
      %mul3A_331 = arith.mulf %gather3A_329, %gather3A_330 : vector<16xf32>
      %add3A_332 = arith.addf %add3A_326, %mul3A_331 : vector<16xf32>
      %broadcast_in_dim3A_333 = arith.constant 26 : i32
      %broadcast_in_dim3A_334 = vector.broadcast %broadcast_in_dim3A_333 : i32 to vector<16xi32>
      %gather3A_335 = tpu.vector_load_idx %arg6[%add3A_173, %broadcast_in_dim3A_334] : memref<1024x32xf32, #tpu.memory_space<vmem>>[vector<16xi32>, vector<16xi32>], vector<16xf32>,
      %gather3A_336 = tpu.vector_load_idx %arg6[%add3A_176, %broadcast_in_dim3A_334] : memref<1024x32xf32, #tpu.memory_space<vmem>>[vector<16xi32>, vector<16xi32>], vector<16xf32>,
      %mul3A_337 = arith.mulf %gather3A_335, %gather3A_336 : vector<16xf32>
      %add3A_338 = arith.addf %add3A_332, %mul3A_337 : vector<16xf32>
      %broadcast_in_dim3A_339 = arith.constant 27 : i32
      %broadcast_in_dim3A_340 = vector.broadcast %broadcast_in_dim3A_339 : i32 to vector<16xi32>
      %gather3A_341 = tpu.vector_load_idx %arg6[%add3A_173, %broadcast_in_dim3A_340] : memref<1024x32xf32, #tpu.memory_space<vmem>>[vector<16xi32>, vector<16xi32>], vector<16xf32>,
      %gather3A_342 = tpu.vector_load_idx %arg6[%add3A_176, %broadcast_in_dim3A_340] : memref<1024x32xf32, #tpu.memory_space<vmem>>[vector<16xi32>, vector<16xi32>], vector<16xf32>,
      %mul3A_343 = arith.mulf %gather3A_341, %gather3A_342 : vector<16xf32>
      %add3A_344 = arith.addf %add3A_338, %mul3A_343 : vector<16xf32>
      %broadcast_in_dim3A_345 = arith.constant 28 : i32
      %broadcast_in_dim3A_346 = vector.broadcast %broadcast_in_dim3A_345 : i32 to vector<16xi32>
      %gather3A_347 = tpu.vector_load_idx %arg6[%add3A_173, %broadcast_in_dim3A_346] : memref<1024x32xf32, #tpu.memory_space<vmem>>[vector<16xi32>, vector<16xi32>], vector<16xf32>,
      %gather3A_348 = tpu.vector_load_idx %arg6[%add3A_176, %broadcast_in_dim3A_346] : memref<1024x32xf32, #tpu.memory_space<vmem>>[vector<16xi32>, vector<16xi32>], vector<16xf32>,
      %mul3A_349 = arith.mulf %gather3A_347, %gather3A_348 : vector<16xf32>
      %add3A_350 = arith.addf %add3A_344, %mul3A_349 : vector<16xf32>
      %broadcast_in_dim3A_351 = arith.constant 29 : i32
      %broadcast_in_dim3A_352 = vector.broadcast %broadcast_in_dim3A_351 : i32 to vector<16xi32>
      %gather3A_353 = tpu.vector_load_idx %arg6[%add3A_173, %broadcast_in_dim3A_352] : memref<1024x32xf32, #tpu.memory_space<vmem>>[vector<16xi32>, vector<16xi32>], vector<16xf32>,
      %gather3A_354 = tpu.vector_load_idx %arg6[%add3A_176, %broadcast_in_dim3A_352] : memref<1024x32xf32, #tpu.memory_space<vmem>>[vector<16xi32>, vector<16xi32>], vector<16xf32>,
      %mul3A_355 = arith.mulf %gather3A_353, %gather3A_354 : vector<16xf32>
      %add3A_356 = arith.addf %add3A_350, %mul3A_355 : vector<16xf32>
      %broadcast_in_dim3A_357 = arith.constant 30 : i32
      %broadcast_in_dim3A_358 = vector.broadcast %broadcast_in_dim3A_357 : i32 to vector<16xi32>
      %gather3A_359 = tpu.vector_load_idx %arg6[%add3A_173, %broadcast_in_dim3A_358] : memref<1024x32xf32, #tpu.memory_space<vmem>>[vector<16xi32>, vector<16xi32>], vector<16xf32>,
      %gather3A_360 = tpu.vector_load_idx %arg6[%add3A_176, %broadcast_in_dim3A_358] : memref<1024x32xf32, #tpu.memory_space<vmem>>[vector<16xi32>, vector<16xi32>], vector<16xf32>,
      %mul3A_361 = arith.mulf %gather3A_359, %gather3A_360 : vector<16xf32>
      %add3A_362 = arith.addf %add3A_356, %mul3A_361 : vector<16xf32>
      %broadcast_in_dim3A_363 = arith.constant 31 : i32
      %broadcast_in_dim3A_364 = vector.broadcast %broadcast_in_dim3A_363 : i32 to vector<16xi32>
      %gather3A_365 = tpu.vector_load_idx %arg6[%add3A_173, %broadcast_in_dim3A_364] : memref<1024x32xf32, #tpu.memory_space<vmem>>[vector<16xi32>, vector<16xi32>], vector<16xf32>,
      %gather3A_366 = tpu.vector_load_idx %arg6[%add3A_176, %broadcast_in_dim3A_364] : memref<1024x32xf32, #tpu.memory_space<vmem>>[vector<16xi32>, vector<16xi32>], vector<16xf32>,
      %mul3A_367 = arith.mulf %gather3A_365, %gather3A_366 : vector<16xf32>
      %add3A_368 = arith.addf %add3A_362, %mul3A_367 : vector<16xf32>
      %neg3A = arith.constant 0.000000e+00 : f32
      %neg3A_369 = vector.broadcast %neg3A : f32 to vector<16xf32>
      %neg3A_370 = arith.subf %neg3A_369, %add3A_368 : vector<16xf32>
      %exp3A = math.exp %neg3A_370 : vector<16xf32>
      %add3A_371 = arith.constant 1.000000e+00 : f32
      %add3A_372 = vector.broadcast %add3A_371 : f32 to vector<16xf32>
      %add3A_373 = arith.addf %add3A_372, %exp3A : vector<16xf32>
      %div3A = arith.constant 1.000000e+00 : f32
      %div3A_374 = vector.broadcast %div3A : f32 to vector<16xf32>
      %div3A_375 = arith.divf %div3A_374, %add3A_373 : vector<16xf32>
      %mul3A_376 = arith.constant 16 : i32
      %mul3A_377 = arith.muli %scan3A_169, %mul3A_376 : i32
      %swap3A = arith.index_cast %mul3A_377 : i32 to index
      %swap3A_378 = tpu.vector_load %arg7[%swap3A] {strides = array<i32>} : memref<512xf32, #tpu.memory_space<vmem>>, vector<16xf32>,
      tpu.vector_store %arg7[%swap3A], %div3A_375 {strides = array<i32>} : memref<512xf32, #tpu.memory_space<vmem>>, vector<16xf32>,
    }
    %scan3A_166 = arith.constant 32 : i32
    %mul3A_167 = arith.constant 512 : i32
    %mul3A_168 = arith.muli %add3A, %mul3A_167 : i32
    "tpu.region"() ({
      %run_scoped3A = tpu.sem_alloc : memref<!tpu.dma_semaphore, #tpu.memory_space<semaphore_mem>>
      %dma_start3A_169 = tpu.memref_slice %arg4[%mul3A_168] : memref<16384xf32, #tpu.memory_space<hbm>> -> memref<512xf32, #tpu.memory_space<hbm>>
      %dma_start3A_170 = tpu.memref_slice %arg4[%mul3A_168] : memref<16384xf32, #tpu.memory_space<hbm>> -> memref<512xf32, #tpu.memory_space<hbm>>
      tpu.enqueue_dma source(%arg7 : memref<512xf32, #tpu.memory_space<vmem>>) target(%dma_start3A_170 : memref<512xf32, #tpu.memory_space<hbm>>) target_semaphore(%run_scoped3A : memref<!tpu.dma_semaphore, #tpu.memory_space<semaphore_mem>>)
      %dma_wait3A_171 = tpu.memref_slice %arg4[%mul3A_168] : memref<16384xf32, #tpu.memory_space<hbm>> -> memref<512xf32, #tpu.memory_space<hbm>>
      %dma_wait3A_172 = tpu.memref_slice %arg4[%mul3A_168] : memref<16384xf32, #tpu.memory_space<hbm>> -> memref<512xf32, #tpu.memory_space<hbm>>
      tpu.wait_dma2 semaphore(%run_scoped3A : memref<!tpu.dma_semaphore, #tpu.memory_space<semaphore_mem>>) src(%arg7 : memref<512xf32, #tpu.memory_space<vmem>>) dst(%dma_wait3A_172 : memref<512xf32, #tpu.memory_space<hbm>>)
      tpu.yield
    }) : () -> ()
    return
  }
}

</mosaic_0001>

<sc_bundles>
// kernel: _ip.3.cloned.1.call-start
scs
__scs_entry_jumppad:
0x0: {  	(pc) =	sbr.rel $0x88, $3  }
0x1: {  	(tag) =	ssettag $0x0;
	lr =	simm.s32 $0x1  }
0x2: {  	[smem:$0x3F9F] =	sst lr;
	_ =	strace $0xD0000000  }
0x3: {  	_ = 	snop  }
0x4: {  	_ = 	snop  }
0x5: {  	_ = 	snop  }
0x6: {  	_ = 	snop  }
0x7: {  	_ = 	snop  }
__scs_overlays_trampoline_lowered:
0x8: {  	[smem:$0x3FAE] =	sst s0  }
0x9: {  	[smem:$0x3FAF] =	sst s1  }
0xa: {  	[smem:$0x3FB0] =	sst s2  }
0xb: {  	[smem:$0x3FB1] =	sst s3  }
0xc: {  	[smem:$0x3FB2] =	sst s4  }
0xd: {  	[smem:$0x3FB3] =	sst s5  }
0xe: {  	[smem:$0x3FB4] =	sst s6  }
0xf: {  	[smem:$0x3FB5] =	sst s7  }
0x10: {  	[smem:$0x3FB6] =	sst s8  }
0x11: {  	[smem:$0x3FB7] =	sst s9;
	s0 =	simm.s32 @!p0 $0x0  }
0x12: {  	s1 =	sld [smem:$0x3F9D];
	s0 =	simm.s32 @p0 $0x1  }
0x13: {  	[smem:$0x3FB8] =	sst s0;
	s0 =	simm.s32 @!p1 $0x0  }
0x14: {  	s2 =	sld [smem:$0x3F9C];
	s0 =	simm.s32 @p1 $0x1  }
0x15: {  	[smem:$0x3FB9] =	sst s0;
	s0 =	simm.s32 @!p2 $0x0  }
0x16: {  	s3 =	sld [smem:$0x3FDB];
	s0 =	simm.s32 @p2 $0x1  }
0x17: {  	s4 =	simm.s32 $0x1BF5;
	[smem:$0x3FBB] =	sst s0  }
0x18: {  	s0 =	sld [smem:$0x3F9E];
	_ =	swait.ge [sflag:s4], $0x0  }
0x19: {  	s7 =	sld [smem:$0x3F9F]  }
0x1a: {  	s8 =	sadd.s32 $0xFFFFE003, lr  }
0x1b: {  	s9 =	sadd.s32 $0xFFFFFEF7, lr;
	s5 =	simm.s32 $0xFFFFFFFF;
	p2 =	slt.u32 s8, $0xFFFFF086  }
0x1c: {  	p1 =	slt.u32 s9, $0xF7A;
	s5 =	simm.s32 @!p2 $0x0  }
0x1d: {  	s5 =	simm.s32 @p1 $0x1;
	p0 =	seq.s32 s7, s2  }
0x1e: {  	s7 =	smul.u32 @!p0 $0xF7A, s2;
	p2 =	seq.s32 @!p0 s5, $0x0  }
0x1f: {  	s9 =	smul.u32 $0xF7A, s1;
	s8 =	simm.s32 @!p0 $0x1BF5;
	p2 =	por !p2, p0  }
0x20: {  	[sflag:s8] =	ssyncset.s32 @!p0 $0xFFFFF086;
	s6 =	sadd.s32 @!p0 s3, s7;
	s7 =	simm.s32 @!p0 $0x108  }
0x21: {  	s3 =	sadd.s32 s3, s9;
	s6 =	sadd.s32 @!p0 $0x88, s6;
	s7 =	simm.s32 @p2 $0x1082  }
0x22: {  	[simem:s7], [sflag:s8] =	dma.local @!p0 [hbm:s6], $0xF7A  }
0x23: {  	s9 =	sor.u32 $0xD0000000, s2;
	s6 =	simm.s32 $0x108;
	_ =	swait.ge @!p0 [sflag:s8], $0x0  }
0x24: {  	s3 =	sadd.s32 $0x88, s3;
	s6 =	simm.s32 @!p1 $0x1082;
	[sflag:s4] =	ssyncset.s32 $0xFFFFF086  }
0x25: {  	[simem:s6], [sflag:s4] =	dma.local [hbm:s3], $0xF7A  }
0x26: {  	[smem:$0x3F9F] =	sst s1;
	(tag) =	ssettag s2;
	_ =	strace s9  }
0x27: {  	s1 =	sld [smem:$0x3FAF]  }
0x28: {  	s2 =	sld [smem:$0x3FB0]  }
0x29: {  	s4 =	sld [smem:$0x3FB2]  }
0x2a: {  	p0 =	seq.s32 s5, $0x0;
	s5 =	sld [smem:$0x3FB3]  }
0x2b: {  	s6 =	sld [smem:$0x3FB4]  }
0x2c: {  	s7 =	sld [smem:$0x3FB5]  }
0x2d: {  	s3 =	simm.s32 $0x108;
	s8 =	sld [smem:$0x3FB6]  }
0x2e: {  	s3 =	simm.s32 @!p0 $0x1082;
	s9 =	sld [smem:$0x3FB7]  }
0x2f: {  	lr =	sadd.s32 s0, s3;
	s0 =	sld [smem:$0x3FAE]  }
0x30: {  	s3 =	sld [smem:$0x3FB1]  }
0x31: {  	[smem:$0x3FBA] =	sst s10  }
0x32: {  	s10 =	sld [smem:$0x3FB8];
	_ =	sdelay $0x3  }
0x33: {  	p0 =	seq.s32 s10, $0x1;
	s10 =	sld [smem:$0x3FBA];
	_ =	sdelay $0x3  }
0x34: {  	[smem:$0x3FBA] =	sst s10  }
0x35: {  	s10 =	sld [smem:$0x3FB9];
	_ =	sdelay $0x3  }
0x36: {  	p1 =	seq.s32 s10, $0x1;
	s10 =	sld [smem:$0x3FBA];
	_ =	sdelay $0x3  }
0x37: {  	[smem:$0x3FBA] =	sst s10  }
0x38: {  	s10 =	sld [smem:$0x3FBB]  }
0x39: {  	_ = 	snop;
	(pc) =	sbr.ind lr, $3  }
0x3a: {  	_ = 	snop  }
0x3b: {  	_ = 	snop  }
0x3c: {  	p2 =	seq.s32 s10, $0x1;
	s10 =	sld [smem:$0x3FBA]  }
0x3d: {  	_ =	shalt  }
0x3e: {  	_ =	shalt  }
0x3f: {  	_ =	shalt  }
0x40: {  	_ =	shalt  }
0x41: {  	_ =	shalt  }
0x42: {  	_ =	shalt  }
0x43: {  	_ =	shalt  }
0x44: {  	_ =	shalt  }
0x45: {  	_ =	shalt  }
0x46: {  	_ =	shalt  }
0x47: {  	_ =	shalt  }
0x48: {  	_ =	shalt  }
0x49: {  	_ =	shalt  }
0x4a: {  	_ =	shalt  }
0x4b: {  	_ =	shalt  }
0x4c: {  	_ =	shalt  }
0x4d: {  	_ =	shalt  }
0x4e: {  	_ =	shalt  }
0x4f: {  	_ =	shalt  }
0x50: {  	_ =	shalt  }
0x51: {  	_ =	shalt  }
0x52: {  	_ =	shalt  }
0x53: {  	_ =	shalt  }
0x54: {  	_ =	shalt  }
0x55: {  	_ =	shalt  }
0x56: {  	_ =	shalt  }
0x57: {  	_ =	shalt  }
0x58: {  	_ =	shalt  }
0x59: {  	_ =	shalt  }
0x5a: {  	_ =	shalt  }
0x5b: {  	_ =	shalt  }
0x5c: {  	_ =	shalt  }
0x5d: {  	_ =	shalt  }
0x5e: {  	_ =	shalt  }
0x5f: {  	_ =	shalt  }
0x60: {  	_ =	shalt  }
0x61: {  	_ =	shalt  }
0x62: {  	_ =	shalt  }
0x63: {  	_ =	shalt  }
0x64: {  	_ =	shalt  }
0x65: {  	_ =	shalt  }
0x66: {  	_ =	shalt  }
0x67: {  	_ =	shalt  }
0x68: {  	_ =	shalt  }
0x69: {  	_ =	shalt  }
0x6a: {  	_ =	shalt  }
0x6b: {  	_ =	shalt  }
0x6c: {  	_ =	shalt  }
0x6d: {  	_ =	shalt  }
0x6e: {  	_ =	shalt  }
0x6f: {  	_ =	shalt  }
0x70: {  	_ =	shalt  }
0x71: {  	_ =	shalt  }
0x72: {  	_ =	shalt  }
0x73: {  	_ =	shalt  }
0x74: {  	_ =	shalt  }
0x75: {  	_ =	shalt  }
0x76: {  	_ =	shalt  }
0x77: {  	_ =	shalt  }
0x78: {  	_ =	shalt  }
0x79: {  	_ =	shalt  }
0x7a: {  	_ =	shalt  }
0x7b: {  	_ =	shalt  }
0x7c: {  	_ =	shalt  }
0x7d: {  	_ =	shalt  }
0x7e: {  	_ =	shalt  }
0x7f: {  	_ =	shalt  }
0x80: {  	_ =	shalt  }
0x81: {  	_ =	shalt  }
0x82: {  	_ =	shalt  }
0x83: {  	_ =	shalt  }
0x84: {  	_ =	shalt  }
0x85: {  	_ =	shalt  }
0x86: {  	_ =	shalt  }
0x87: {  	_ =	shalt  }
.Lfunc_end0:
.L_simem_size_0:
called_computation_lowered:
.L_overlay_start_0:
0x88: {  	s2 =	sld [smem:$0x3FD9]  }
0x89: {  	s3 =	sld [smem:$0x3FFE];
	_ =	sdelay $0x1  }
0x8a: {  	s1 =	srdreg.scid  }
0x8b: {  	s0 =	sand.u32 $0x1, s1  }
0x8c: {  	s17 =	sshll.u32 s0, $0xA;
	s2 =	sadd.s32 s3, s2  }
0x8d: {  	s2 =	sadd.s32 s2, s17  }
0x8e: {  	[smem:$0x3FC6] =	sst s2  }
0x8f: {  	_ = 	snop  }
0x90: {  	s2 =	sld [smem:$0x3FC8]  }
0x91: {  	s18 =	sld [smem:$0x3FD0];
	(tm) =	ssettm $0x1  }
0x92: {  	s4 =	sld [smem:$0x3FFB];
	_ =	sdelay $0x3  }
0x93: {  	_ =	strace s4  }
0x94: {  	s4 =	sld [smem:$0x3FFC];
	_ =	sdelay $0x3  }
0x95: {  	_ =	strace s4  }
0x96: {  	s4 =	sld [smem:$0x3FFD];
	_ =	sdelay $0x3  }
0x97: {  	_ =	strace s4  }
0x98: {  	_ =	strace $0x8FFFFFFF  }
0x99: {  	s19 =	sld [smem:$0x3FDB];
	_ =	sdelay $0x1  }
0x9a: {  	s5 =	simm.s32 $_scs_section_size  }
0x9b: {  	s6 =	simm.s32 $_size__tile_overlayer_lowered;
	s7 =	simm.s32 $_tile_overlayer_lowered  }
0x9c: {  	s22 =	simm.s32 $0x1BFF;
	s21 =	sshll.u32 s7, $0x1;
	s4 =	sadd.s32 s5, s19  }
0x9d: {  	s8 =	simm.s32 $0x0;
	s20 =	sshll.u32 s6, $0x1;
	s6 =	sadd.s32 s21, s4  }
0x9e: {  	[timem:s8], [sflag:s22] =	dma.local [hbm:s6], s20  }
0x9f: {  	_ =	swait.ge [sflag:s22], s20  }
0xa0: {  	s5 =	ssub.s32 $0x0, s20;
	[sflag:s22] =	ssyncset.done $0x0  }
0xa1: {  	[sflag:s22] =	ssyncadd.s32 s5;
	_ =	sdelay $0x1  }
0xa2: {  	s23 =	simm.s32 $0x1B8B  }
0xa3: {  	_ =	swait.ge [sflag:s23], $0x1  }
0xa4: {  	[sflag:s23] =	ssyncset.done $0x0  }
0xa5: {  	s25 =	simm.s32 $0x1B8E;
	s24 =	sld [smem:$0x3FFE];
	[sflag:s23] =	ssyncadd.s32 $0xFFFFFFFF  }
0xa6: {  	s26 =	simm.s32 $execute0_lowered;
	[smem:$0x3FD2] =	sst s25  }
0xa7: {  	s6 =	sshll.u32 s26, $0x1;
	_ =	strace $0x80000046;
	[dreg:$0x1] =	wrdreg $0xFFFFFFFF  }
0xa8: {  	s28 =	simm.s32 $_size_execute0_lowered;
	s4 =	sadd.s32 s4, s6;
	[dreg:$0x0] =	wrdreg $0x0  }
0xa9: {  	s6 =	sshll.u32 s28, $0x1;
	[dreg:$0x2] =	wrdreg s4  }
0xaa: {  	[dreg:$0x3] =	wrdreg s6  }
0xab: {  	[dreg:$0x4] =	wrdreg $0xC0  }
0xac: {  	_ =	task [dreg:s8], $0x5FFFF  }
0xad: {  	[dreg:$0x1] =	wrdreg $0xFFFFFFFF  }
0xae: {  	[dreg:$0x0] =	wrdreg $0x60  }
0xaf: {  	[dreg:$0x2] =	wrdreg s24  }
0xb0: {  	[dreg:$0x3] =	wrdreg s2  }
0xb1: {  	[dreg:$0x4] =	wrdreg s18  }
0xb2: {  	[dreg:$0x5] =	wrdreg $0x9  }
0xb3: {  	_ =	task.clear_ibuf [dreg:s8], $0x6FFFF;
	_ =	strace $0x90000046  }
0xb4: {  	s29 =	simm.s32 $0x9;
	_ =	strace $0x80000048  }
0xb5: {  	_ =	swait.ge [sflag:s29], $0x1  }
0xb6: {  	[sflag:s29] =	ssyncadd.s32 $0xFFFFFFFF  }
0xb7: {  	_ =	strace $0x90000048  }
0xb8: {  	_ =	sfence  }
0xb9: {  	s30 =	sld [smem:$0x0];
	_ =	sdelay $0x2  }
0xba: {  	s31 =	sshll.u32 s1, $0xD;
	s1 =	sshrl.u32 s1, $0x2  }
0xbb: {  	s3 =	sand.u32 $0x4000, s31;
	s1 =	sadd.s32 s1, s30  }
0xbc: {  	s0 =	sor.u32 s3, s0;
	s1 =	sshll.u32 s1, $0x11  }
0xbd: {  	s0 =	sor.u32 s1, s0  }
0xbe: {  	s0 =	sadd.s32 $0x8F2B, s0  }
0xbf: {  	[sflag:s0] =	ssyncadd.remote.s32 $0x1  }
0xc0: {  	_ =	sfence.sel $0xFFFF  }
0xc1: {  	[dreg:$0x0] =	wrdreg $0xFFFFFFFF;
	(pc) =	sbr.abs _section_cstart, $3  }
0xc2: {  	[dreg:$0x1] =	wrdreg $0xFFFFFFFF  }
0xc3: {  	_ =	task.clear_ibuf [dreg:s8], $0x2FFFF;
	_ =	strace $0x9FFFFFFF  }
0xc4: {  	(tm) =	ssettm $0x7FFFFFFF  }
0xc5: {  	_ =	shalt  }
tec
execute0_lowered:
.L_overlay_start_1:
0x0: {  	(tag) =	ssettag $0x1  }
0x1: {  	s3 =	rddreg [dreg:$0x0]  }
0x2: {  	s4 =	rddreg [dreg:$0x1]  }
0x3: {  	s5 =	rddreg [dreg:$0x2]  }
0x4: {  	s0 =	rddreg [dreg:$0x3]  }
0x5: {  	s2 =	simm.s32 $0x0;
	s6 =	srdreg.scid;
	s1 =	stileid.u32  }
0x6: {  	s10 =	simm.s32 $0x1400;
	s11 =	simm.s32 $0x100;
	s12 =	simm.s32 $0x2400  }
0x7: {  	s13 =	simm.s32 $0x180;
	s14 =	simm.s32 $0x3400;
	s15 =	simm.s32 $0x200  }
0x8: {  	s16 =	simm.s32 $0x4400;
	s17 =	simm.s32 $0x280;
	s18 =	simm.s32 $0x5400  }
0x9: {  	s19 =	simm.s32 $0x300;
	s20 =	simm.s32 $0x6400;
	s21 =	simm.s32 $0x380  }
0xa: {  	s22 =	simm.s32 $0x7400;
	s23 =	simm.s32 $0x1;
	s24 =	simm.s32 $0x8400  }
0xb: {  	s25 =	simm.s32 $0x0;
	[smem:$0x7FF] =	sst s2;
	s6 =	sand.u32 $0x1, s6  }
0xc: {  	s7 =	sshll.u32 s1, $0x1;
	s3 =	sadd.s32 $0xF42800, s3;
	s8 =	ssub.s32 $0x2, s6  }
0xd: {  	v0 =	vlaneseq.u32;
	_ =	strace $0x80000047;
	s6 =	sor.u32 s6, s7;
	s31 =	sshrl.u32 s8, $0x1  }
0xe: {  	v0 =	vmul.u32 $0x40, v0;
	s9 =	sshll.u32 s6, $0x7;
	s6 =	sshll.u32 s6, $0x6;
	s7 =	ssub.s32 s8, s31  }
0xf: {  	s4 =	sadd.s32 s4, s9;
	s5 =	sadd.s32 s5, s6;
	s8 =	simm.s32 $0x80  }
0x10: {  	v1 =	vor.u32 $0x20, v0;
	s9 =	simm.s32 $0x400;
	s6 =	smax.u32 s7, $0x1;
	s7 =	simm.s32 $0x2  }
.LBB2_1:
0x11: {  	[tilespmem:s2], [sflag:$0x2] =	stream.linear.gather [hbm4b:s4+s2], $0x400, $0x38;
	[tilespmem:$0x8600] =	vst v63  }
0x12: {  	_ =	swait.ge [sflag:s7], $0x400  }
0x13: {  	[sflag:s7] =	ssyncset.done $0x0  }
0x14: {  	[sflag:s7] =	ssyncadd.s32 $0xFFFFFC00  }
0x15: {  	[tilespmem:s9], [sflag:$0x1] =	stream.indirect.gather [hbm4b:s3+s8], $0x20, s2, s8, $0xb8;
	[tilespmem:$0x8600] =	vst v63  }
0x16: {  	_ = 	snop  }
0x17: {  	[tilespmem:s10], [sflag:$0x1] =	stream.indirect.gather [hbm4b:s3+s8], $0x20, s8, s8, $0xb8;
	[tilespmem:$0x8600] =	vst v63  }
0x18: {  	_ = 	snop  }
0x19: {  	[tilespmem:s12], [sflag:$0x1] =	stream.indirect.gather [hbm4b:s3+s8], $0x20, s11, s8, $0xb8;
	[tilespmem:$0x8600] =	vst v63  }
0x1a: {  	_ = 	snop  }
0x1b: {  	[tilespmem:s14], [sflag:$0x1] =	stream.indirect.gather [hbm4b:s3+s8], $0x20, s13, s8, $0xb8;
	[tilespmem:$0x8600] =	vst v63  }
0x1c: {  	_ = 	snop  }
0x1d: {  	[tilespmem:s16], [sflag:$0x1] =	stream.indirect.gather [hbm4b:s3+s8], $0x20, s15, s8, $0xb8;
	[tilespmem:$0x8600] =	vst v63  }
0x1e: {  	_ = 	snop  }
0x1f: {  	[tilespmem:s18], [sflag:$0x1] =	stream.indirect.gather [hbm4b:s3+s8], $0x20, s17, s8, $0xb8;
	[tilespmem:$0x8600] =	vst v63  }
0x20: {  	_ = 	snop  }
0x21: {  	[tilespmem:s20], [sflag:$0x1] =	stream.indirect.gather [hbm4b:s3+s8], $0x20, s19, s8, $0xb8;
	[tilespmem:$0x8600] =	vst v63  }
0x22: {  	_ = 	snop  }
0x23: {  	[tilespmem:s22], [sflag:$0x1] =	stream.indirect.gather [hbm4b:s3+s8], $0x20, s21, s8, $0xb8;
	[tilespmem:$0x8600] =	vst v63  }
0x24: {  	_ =	swait.ge [sflag:s23], $0x1000  }
0x25: {  	[sflag:s23] =	ssyncset.done $0x0  }
0x26: {  	[sflag:s23] =	ssyncadd.s32 $0xFFFFF000  }
0x27: {  	_ =	swait.ge [sflag:s23], $0x1000  }
0x28: {  	[sflag:s23] =	ssyncset.done $0x0  }
0x29: {  	[sflag:s23] =	ssyncadd.s32 $0xFFFFF000  }
0x2a: {  	_ =	swait.ge [sflag:s23], $0x1000  }
0x2b: {  	[sflag:s23] =	ssyncset.done $0x0  }
0x2c: {  	[sflag:s23] =	ssyncadd.s32 $0xFFFFF000  }
0x2d: {  	_ =	swait.ge [sflag:s23], $0x1000  }
0x2e: {  	[sflag:s23] =	ssyncset.done $0x0  }
0x2f: {  	[sflag:s23] =	ssyncadd.s32 $0xFFFFF000  }
0x30: {  	_ =	swait.ge [sflag:s23], $0x1000  }
0x31: {  	[sflag:s23] =	ssyncset.done $0x0  }
0x32: {  	[sflag:s23] =	ssyncadd.s32 $0xFFFFF000  }
0x33: {  	_ =	swait.ge [sflag:s23], $0x1000  }
0x34: {  	[sflag:s23] =	ssyncset.done $0x0  }
0x35: {  	v2 =	vmov s2;
	[sflag:s23] =	ssyncadd.s32 $0xFFFFF000  }
0x36: {  	v3 =	vshll.u32 v2, $0x5;
	_ =	swait.ge [sflag:s23], $0x1000  }
0x37: {  	v2 =	vor.u32 v1, v3;
	[sflag:s23] =	ssyncset.done $0x0  }
0x38: {  	v3 =	vor.u32 v0, v3;
	[sflag:s23] =	ssyncadd.s32 $0xFFFFF000  }
0x39: {  	v4 =	vor.u32 $0x1, v3;
	_ =	swait.ge [sflag:s23], $0x1000  }
0x3a: {  	v5 =	vor.u32 $0x1, v2;
	[sflag:s23] =	ssyncset.done $0x0  }
0x3b: {  	v6 =	vor.u32 $0x2, v3;
	[sflag:s23] =	ssyncadd.s32 $0xFFFFF000  }
0x3c: {  	v8 =	vor.u32 $0x2, v2;
	v7 =	vld.idx.msk [tilespmem:v2+s9+$0x0], $0xffff  }
0x3d: {  	v10 =	vor.u32 $0x3, v3;
	v9 =	vld.idx.msk [tilespmem:v3+s9+$0x0], $0xffff  }
0x3e: {  	v11 =	vor.u32 $0x3, v2;
	v4 =	vld.idx.msk [tilespmem:v4+s9+$0x0], $0xffff  }
0x3f: {  	v12 =	vor.u32 $0x4, v3;
	v5 =	vld.idx.msk [tilespmem:v5+s9+$0x0], $0xffff  }
0x40: {  	v13 =	vor.u32 $0x4, v2;
	v6 =	vld.idx.msk [tilespmem:v6+s9+$0x0], $0xffff  }
0x41: {  	v14 =	vor.u32 $0x5, v3;
	v8 =	vld.idx.msk [tilespmem:v8+s9+$0x0], $0xffff  }
0x42: {  	v15 =	vor.u32 $0x5, v2;
	v10 =	vld.idx.msk [tilespmem:v10+s9+$0x0], $0xffff;
	v7 =	vmul.f32 v7, v9  }
0x43: {  	v34 =	vor.u32 $0x6, v3;
	v33 =	vld.idx.msk [tilespmem:v11+s9+$0x0], $0xffff  }
0x44: {  	v16 =	vor.u32 $0x6, v2;
	v12 =	vld.idx.msk [tilespmem:v12+s9+$0x0], $0xffff;
	v4 =	vmul.f32 v5, v4;
	v7 =	vadd.f32 $0.0e+00, v7  }
0x45: {  	v17 =	vor.u32 $0x7, v2;
	v5 =	vld.idx.msk [tilespmem:v13+s9+$0x0], $0xffff  }
0x46: {  	v35 =	vor.u32 $0x7, v3;
	v14 =	vld.idx.msk [tilespmem:v14+s9+$0x0], $0xffff;
	v6 =	vmul.f32 v8, v6;
	v4 =	vadd.f32 v4, v7  }
0x47: {  	v38 =	vor.u32 $0x8, v2;
	v36 =	vld.idx.msk [tilespmem:v15+s9+$0x0], $0xffff  }
0x48: {  	v37 =	vor.u32 $0x8, v3;
	v11 =	vld.idx.msk [tilespmem:v34+s9+$0x0], $0xffff;
	v39 =	vmul.f32 v33, v10;
	v4 =	vadd.f32 v6, v4  }
0x49: {  	v42 =	vor.u32 $0x9, v2;
	v40 =	vld.idx.msk [tilespmem:v16+s9+$0x0], $0xffff  }
0x4a: {  	v41 =	vor.u32 $0x9, v3;
	v43 =	vld.idx.msk [tilespmem:v17+s9+$0x0], $0xffff;
	v5 =	vmul.f32 v5, v12;
	v4 =	vadd.f32 v39, v4  }
0x4b: {  	v45 =	vor.u32 $0xA, v2;
	v13 =	vld.idx.msk [tilespmem:v35+s9+$0x0], $0xffff  }
0x4c: {  	v44 =	vor.u32 $0xA, v3;
	v46 =	vld.idx.msk [tilespmem:v38+s9+$0x0], $0xffff;
	v4 =	vadd.f32 v5, v4;
	v5 =	vmul.f32 v36, v14  }
0x4d: {  	v48 =	vor.u32 $0xB, v2;
	v8 =	vld.idx.msk [tilespmem:v37+s9+$0x0], $0xffff  }
0x4e: {  	v47 =	vor.u32 $0xB, v3;
	v49 =	vld.idx.msk [tilespmem:v42+s9+$0x0], $0xffff;
	v4 =	vadd.f32 v5, v4;
	v5 =	vmul.f32 v40, v11  }
0x4f: {  	v51 =	vor.u32 $0xC, v2;
	v10 =	vld.idx.msk [tilespmem:v41+s9+$0x0], $0xffff  }
0x50: {  	v50 =	vor.u32 $0xC, v3;
	v52 =	vld.idx.msk [tilespmem:v45+s9+$0x0], $0xffff;
	v4 =	vadd.f32 v5, v4;
	v5 =	vmul.f32 v43, v13  }
0x51: {  	v54 =	vor.u32 $0xD, v2;
	v12 =	vld.idx.msk [tilespmem:v44+s9+$0x0], $0xffff  }
0x52: {  	v53 =	vor.u32 $0xD, v3;
	v55 =	vld.idx.msk [tilespmem:v48+s9+$0x0], $0xffff;
	v4 =	vadd.f32 v5, v4;
	v5 =	vmul.f32 v46, v8  }
0x53: {  	v57 =	vor.u32 $0xE, v2;
	v14 =	vld.idx.msk [tilespmem:v47+s9+$0x0], $0xffff  }
0x54: {  	v56 =	vor.u32 $0xE, v3;
	v58 =	vld.idx.msk [tilespmem:v51+s9+$0x0], $0xffff;
	v4 =	vadd.f32 v5, v4;
	v5 =	vmul.f32 v49, v10  }
0x55: {  	v60 =	vor.u32 $0xF, v2;
	v11 =	vld.idx.msk [tilespmem:v50+s9+$0x0], $0xffff  }
0x56: {  	v59 =	vor.u32 $0xF, v3;
	v61 =	vld.idx.msk [tilespmem:v54+s9+$0x0], $0xffff;
	v4 =	vadd.f32 v5, v4;
	v5 =	vmul.f32 v52, v12  }
0x57: {  	v63 =	vor.u32 $0x10, v2;
	v13 =	vld.idx.msk [tilespmem:v53+s9+$0x0], $0xffff  }
0x58: {  	v62 =	vor.u32 $0x10, v3;
	v20 =	vld.idx.msk [tilespmem:v57+s9+$0x0], $0xffff;
	v4 =	vadd.f32 v5, v4;
	v5 =	vmul.f32 v55, v14  }
0x59: {  	v22 =	vor.u32 $0x11, v2;
	v8 =	vld.idx.msk [tilespmem:v56+s9+$0x0], $0xffff  }
0x5a: {  	v21 =	vor.u32 $0x11, v3;
	v23 =	vld.idx.msk [tilespmem:v60+s9+$0x0], $0xffff;
	v4 =	vadd.f32 v5, v4;
	v5 =	vmul.f32 v58, v11  }
0x5b: {  	v25 =	vor.u32 $0x12, v2;
	v10 =	vld.idx.msk [tilespmem:v59+s9+$0x0], $0xffff  }
0x5c: {  	v24 =	vor.u32 $0x12, v3;
	v26 =	vld.idx.msk [tilespmem:v63+s9+$0x0], $0xffff;
	v4 =	vadd.f32 v5, v4;
	v5 =	vmul.f32 v61, v13  }
0x5d: {  	v28 =	vor.u32 $0x13, v2;
	v12 =	vld.idx.msk [tilespmem:v62+s9+$0x0], $0xffff  }
0x5e: {  	v27 =	vor.u32 $0x13, v3;
	v29 =	vld.idx.msk [tilespmem:v22+s9+$0x0], $0xffff;
	v4 =	vadd.f32 v5, v4;
	v5 =	vmul.f32 v20, v8  }
0x5f: {  	v31 =	vor.u32 $0x14, v2;
	v14 =	vld.idx.msk [tilespmem:v21+s9+$0x0], $0xffff  }
0x60: {  	v30 =	vor.u32 $0x14, v3;
	v32 =	vld.idx.msk [tilespmem:v25+s9+$0x0], $0xffff;
	v4 =	vadd.f32 v5, v4;
	v5 =	vmul.f32 v23, v10  }
0x61: {  	v34 =	vor.u32 $0x15, v2;
	v11 =	vld.idx.msk [tilespmem:v24+s9+$0x0], $0xffff  }
0x62: {  	v33 =	vor.u32 $0x15, v3;
	v35 =	vld.idx.msk [tilespmem:v28+s9+$0x0], $0xffff;
	v4 =	vadd.f32 v5, v4;
	v5 =	vmul.f32 v26, v12  }
0x63: {  	v37 =	vor.u32 $0x16, v2;
	v13 =	vld.idx.msk [tilespmem:v27+s9+$0x0], $0xffff  }
0x64: {  	v38 =	vld.idx.msk [tilespmem:v31+s9+$0x0], $0xffff;
	v36 =	vor.u32 $0x16, v3;
	v4 =	vadd.f32 v5, v4;
	v5 =	vmul.f32 v29, v14  }
0x65: {  	v40 =	vor.u32 $0x17, v2;
	v8 =	vld.idx.msk [tilespmem:v30+s9+$0x0], $0xffff  }
0x66: {  	v41 =	vld.idx.msk [tilespmem:v34+s9+$0x0], $0xffff;
	v39 =	vor.u32 $0x17, v3;
	v4 =	vadd.f32 v5, v4;
	v5 =	vmul.f32 v32, v11  }
0x67: {  	v43 =	vor.u32 $0x18, v2;
	v10 =	vld.idx.msk [tilespmem:v33+s9+$0x0], $0xffff  }
0x68: {  	v42 =	vor.u32 $0x18, v3;
	v44 =	vld.idx.msk [tilespmem:v37+s9+$0x0], $0xffff;
	v4 =	vadd.f32 v5, v4;
	v5 =	vmul.f32 v35, v13  }
0x69: {  	v46 =	vor.u32 $0x19, v2;
	v12 =	vld.idx.msk [tilespmem:v36+s9+$0x0], $0xffff  }
0x6a: {  	v45 =	vor.u32 $0x19, v3;
	v47 =	vld.idx.msk [tilespmem:v40+s9+$0x0], $0xffff;
	v4 =	vadd.f32 v5, v4;
	v5 =	vmul.f32 v38, v8  }
0x6b: {  	v49 =	vor.u32 $0x1A, v2;
	v14 =	vld.idx.msk [tilespmem:v39+s9+$0x0], $0xffff  }
0x6c: {  	v48 =	vor.u32 $0x1A, v3;
	v50 =	vld.idx.msk [tilespmem:v43+s9+$0x0], $0xffff;
	v4 =	vadd.f32 v5, v4;
	v5 =	vmul.f32 v41, v10  }
0x6d: {  	v52 =	vor.u32 $0x1B, v2;
	v11 =	vld.idx.msk [tilespmem:v42+s9+$0x0], $0xffff  }
0x6e: {  	v51 =	vor.u32 $0x1B, v3;
	v53 =	vld.idx.msk [tilespmem:v46+s9+$0x0], $0xffff;
	v4 =	vadd.f32 v5, v4;
	v5 =	vmul.f32 v44, v12  }
0x6f: {  	v55 =	vor.u32 $0x1C, v2;
	v13 =	vld.idx.msk [tilespmem:v45+s9+$0x0], $0xffff  }
0x70: {  	v54 =	vor.u32 $0x1C, v3;
	v56 =	vld.idx.msk [tilespmem:v49+s9+$0x0], $0xffff;
	v4 =	vadd.f32 v5, v4;
	v5 =	vmul.f32 v47, v14  }
0x71: {  	v57 =	vor.u32 $0x1D, v3;
	v8 =	vld.idx.msk [tilespmem:v48+s9+$0x0], $0xffff  }
0x72: {  	v58 =	vor.u32 $0x1D, v2;
	v59 =	vld.idx.msk [tilespmem:v52+s9+$0x0], $0xffff;
	v4 =	vadd.f32 v5, v4;
	v5 =	vmul.f32 v50, v11  }
0x73: {  	v60 =	vor.u32 $0x1E, v3;
	v10 =	vld.idx.msk [tilespmem:v51+s9+$0x0], $0xffff  }
0x74: {  	v61 =	vor.u32 $0x1E, v2;
	v62 =	vld.idx.msk [tilespmem:v55+s9+$0x0], $0xffff;
	v4 =	vadd.f32 v5, v4;
	v5 =	vmul.f32 v53, v13  }
0x75: {  	v3 =	vor.u32 $0x1F, v3;
	v12 =	vld.idx.msk [tilespmem:v54+s9+$0x0], $0xffff  }
0x76: {  	v63 =	vld.idx.msk [tilespmem:v57+s9+$0x0], $0xffff;
	v2 =	vor.u32 $0x1F, v2;
	v4 =	vadd.f32 v5, v4;
	v5 =	vmul.f32 v56, v8  }
0x77: {  	v14 =	vld.idx.msk [tilespmem:v58+s9+$0x0], $0xffff  }
0x78: {  	v15 =	vld.idx.msk [tilespmem:v60+s9+$0x0], $0xffff;
	v4 =	vadd.f32 v5, v4;
	v5 =	vmul.f32 v59, v10  }
0x79: {  	v16 =	vld.idx.msk [tilespmem:v61+s9+$0x0], $0xffff  }
0x7a: {  	v3 =	vld.idx.msk [tilespmem:v3+s9+$0x0], $0xffff;
	v4 =	vadd.f32 v5, v4;
	v5 =	vmul.f32 v62, v12  }
0x7b: {  	v2 =	vld.idx.msk [tilespmem:v2+s9+$0x0], $0xffff  }
0x7c: {  	v4 =	vadd.f32 v5, v4;
	v5 =	vmul.f32 v14, v63;
	_ =	sdelay $0x1  }
0x7d: {  	v4 =	vadd.f32 v5, v4;
	v5 =	vmul.f32 v16, v15;
	_ =	sdelay $0x1  }
0x7e: {  	v2 =	vmul.f32 v2, v3;
	v4 =	vadd.f32 v5, v4;
	_ =	sdelay $0x1  }
0x7f: {  	v2 =	vadd.f32 v2, v4;
	_ =	sdelay $0x1  }
0x80: {  	v2 =	vsub.f32 $0.0e+00, v2;
	_ =	sdelay $0x1  }
0x81: {  	v2 =	vmul.f32 $1.442695020e+00, v2;
	_ =	sdelay $0x1  }
0x82: {  	(erf) = vpow2.f32 v2;
	_ =	sdelay $0x8  }
0x83: {  	v2 =	vpop (erf)  }
0x84: {  	v2 =	vadd.f32 $1.000000000e+00, v2;
	_ =	sdelay $0x1  }
0x85: {  	(erf) = vrcp.f32 v2;
	_ =	sdelay $0x2  }
0x86: {  	s26 =	simm.s32 $0x20  }
0x87: {  	v2 =	vmov s26  }
0x88: {  	v3 =	vshll.u32 v2, $0x5  }
0x89: {  	v2 =	vor.u32 v1, v3  }
0x8a: {  	v3 =	vor.u32 v0, v3  }
0x8b: {  	v4 =	vor.u32 $0x1, v3  }
0x8c: {  	v5 =	vor.u32 $0x1, v2;
	v17 =	vpop (erf)  }
0x8d: {  	v18 =	vor.u32 $0x2, v3;
	[tilespmem:s24+$0x0] =	vst v17  }
0x8e: {  	v19 =	vor.u32 $0x2, v2;
	v6 =	vld.idx.msk [tilespmem:v2+s9+$0x0], $0xffff  }
0x8f: {  	v21 =	vor.u32 $0x3, v3;
	v20 =	vld.idx.msk [tilespmem:v3+s9+$0x0], $0xffff  }
0x90: {  	v22 =	vor.u32 $0x3, v2;
	v4 =	vld.idx.msk [tilespmem:v4+s9+$0x0], $0xffff  }
0x91: {  	v23 =	vor.u32 $0x4, v3;
	v5 =	vld.idx.msk [tilespmem:v5+s9+$0x0], $0xffff  }
0x92: {  	v24 =	vor.u32 $0x4, v2;
	v7 =	vld.idx.msk [tilespmem:v18+s9+$0x0], $0xffff  }
0x93: {  	v25 =	vor.u32 $0x5, v3;
	v8 =	vld.idx.msk [tilespmem:v19+s9+$0x0], $0xffff  }
0x94: {  	v26 =	vor.u32 $0x5, v2;
	v10 =	vld.idx.msk [tilespmem:v21+s9+$0x0], $0xffff;
	v6 =	vmul.f32 v6, v20  }
0x95: {  	v28 =	vor.u32 $0x6, v3;
	v27 =	vld.idx.msk [tilespmem:v22+s9+$0x0], $0xffff  }
0x96: {  	v29 =	vor.u32 $0x6, v2;
	v12 =	vld.idx.msk [tilespmem:v23+s9+$0x0], $0xffff;
	v4 =	vmul.f32 v5, v4;
	v6 =	vadd.f32 $0.0e+00, v6  }
0x97: {  	v30 =	vor.u32 $0x7, v3;
	v5 =	vld.idx.msk [tilespmem:v24+s9+$0x0], $0xffff  }
0x98: {  	v31 =	vor.u32 $0x7, v2;
	v14 =	vld.idx.msk [tilespmem:v25+s9+$0x0], $0xffff;
	v32 =	vmul.f32 v8, v7;
	v4 =	vadd.f32 v4, v6  }
0x99: {  	v35 =	vor.u32 $0x8, v2;
	v33 =	vld.idx.msk [tilespmem:v26+s9+$0x0], $0xffff  }
0x9a: {  	v34 =	vor.u32 $0x8, v3;
	v11 =	vld.idx.msk [tilespmem:v28+s9+$0x0], $0xffff;
	v36 =	vmul.f32 v27, v10;
	v4 =	vadd.f32 v32, v4  }
0x9b: {  	v39 =	vor.u32 $0x9, v2;
	v37 =	vld.idx.msk [tilespmem:v29+s9+$0x0], $0xffff  }
0x9c: {  	v38 =	vor.u32 $0x9, v3;
	v13 =	vld.idx.msk [tilespmem:v30+s9+$0x0], $0xffff;
	v5 =	vmul.f32 v5, v12;
	v4 =	vadd.f32 v36, v4  }
0x9d: {  	v42 =	vor.u32 $0xA, v2;
	v40 =	vld.idx.msk [tilespmem:v31+s9+$0x0], $0xffff  }
0x9e: {  	v41 =	vor.u32 $0xA, v3;
	v43 =	vld.idx.msk [tilespmem:v35+s9+$0x0], $0xffff;
	v4 =	vadd.f32 v5, v4;
	v5 =	vmul.f32 v33, v14  }
0x9f: {  	v45 =	vor.u32 $0xB, v2;
	v8 =	vld.idx.msk [tilespmem:v34+s9+$0x0], $0xffff  }
0xa0: {  	v44 =	vor.u32 $0xB, v3;
	v46 =	vld.idx.msk [tilespmem:v39+s9+$0x0], $0xffff;
	v4 =	vadd.f32 v5, v4;
	v5 =	vmul.f32 v37, v11  }
0xa1: {  	v48 =	vor.u32 $0xC, v2;
	v10 =	vld.idx.msk [tilespmem:v38+s9+$0x0], $0xffff  }
0xa2: {  	v47 =	vor.u32 $0xC, v3;
	v49 =	vld.idx.msk [tilespmem:v42+s9+$0x0], $0xffff;
	v4 =	vadd.f32 v5, v4;
	v5 =	vmul.f32 v40, v13  }
0xa3: {  	v51 =	vor.u32 $0xD, v2;
	v12 =	vld.idx.msk [tilespmem:v41+s9+$0x0], $0xffff  }
0xa4: {  	v50 =	vor.u32 $0xD, v3;
	v52 =	vld.idx.msk [tilespmem:v45+s9+$0x0], $0xffff;
	v4 =	vadd.f32 v5, v4;
	v5 =	vmul.f32 v43, v8  }
0xa5: {  	v54 =	vor.u32 $0xE, v2;
	v14 =	vld.idx.msk [tilespmem:v44+s9+$0x0], $0xffff  }
0xa6: {  	v53 =	vor.u32 $0xE, v3;
	v55 =	vld.idx.msk [tilespmem:v48+s9+$0x0], $0xffff;
	v4 =	vadd.f32 v5, v4;
	v5 =	vmul.f32 v46, v10  }
0xa7: {  	v57 =	vor.u32 $0xF, v2;
	v11 =	vld.idx.msk [tilespmem:v47+s9+$0x0], $0xffff  }
0xa8: {  	v56 =	vor.u32 $0xF, v3;
	v58 =	vld.idx.msk [tilespmem:v51+s9+$0x0], $0xffff;
	v4 =	vadd.f32 v5, v4;
	v5 =	vmul.f32 v49, v12  }
0xa9: {  	v60 =	vor.u32 $0x10, v2;
	v13 =	vld.idx.msk [tilespmem:v50+s9+$0x0], $0xffff  }
0xaa: {  	v59 =	vor.u32 $0x10, v3;
	v61 =	vld.idx.msk [tilespmem:v54+s9+$0x0], $0xffff;
	v4 =	vadd.f32 v5, v4;
	v5 =	vmul.f32 v52, v14  }
0xab: {  	v63 =	vor.u32 $0x11, v2;
	v8 =	vld.idx.msk [tilespmem:v53+s9+$0x0], $0xffff  }
0xac: {  	v62 =	vor.u32 $0x11, v3;
	v20 =	vld.idx.msk [tilespmem:v57+s9+$0x0], $0xffff;
	v4 =	vadd.f32 v5, v4;
	v5 =	vmul.f32 v55, v11  }
0xad: {  	v22 =	vor.u32 $0x12, v2;
	v10 =	vld.idx.msk [tilespmem:v56+s9+$0x0], $0xffff  }
0xae: {  	v21 =	vor.u32 $0x12, v3;
	v23 =	vld.idx.msk [tilespmem:v60+s9+$0x0], $0xffff;
	v4 =	vadd.f32 v5, v4;
	v5 =	vmul.f32 v58, v13  }
0xaf: {  	v25 =	vor.u32 $0x13, v2;
	v12 =	vld.idx.msk [tilespmem:v59+s9+$0x0], $0xffff  }
0xb0: {  	v26 =	vld.idx.msk [tilespmem:v63+s9+$0x0], $0xffff;
	v24 =	vor.u32 $0x13, v3;
	v4 =	vadd.f32 v5, v4;
	v5 =	vmul.f32 v61, v8  }
0xb1: {  	v28 =	vor.u32 $0x14, v2;
	v14 =	vld.idx.msk [tilespmem:v62+s9+$0x0], $0xffff  }
0xb2: {  	v27 =	vor.u32 $0x14, v3;
	v29 =	vld.idx.msk [tilespmem:v22+s9+$0x0], $0xffff;
	v4 =	vadd.f32 v5, v4;
	v5 =	vmul.f32 v20, v10  }
0xb3: {  	v31 =	vor.u32 $0x15, v2;
	v11 =	vld.idx.msk [tilespmem:v21+s9+$0x0], $0xffff  }
0xb4: {  	v30 =	vor.u32 $0x15, v3;
	v32 =	vld.idx.msk [tilespmem:v25+s9+$0x0], $0xffff;
	v4 =	vadd.f32 v5, v4;
	v5 =	vmul.f32 v23, v12  }
0xb5: {  	v34 =	vor.u32 $0x16, v2;
	v13 =	vld.idx.msk [tilespmem:v24+s9+$0x0], $0xffff  }
0xb6: {  	v35 =	vld.idx.msk [tilespmem:v28+s9+$0x0], $0xffff;
	v33 =	vor.u32 $0x16, v3;
	v4 =	vadd.f32 v5, v4;
	v5 =	vmul.f32 v26, v14  }
0xb7: {  	v37 =	vor.u32 $0x17, v2;
	v8 =	vld.idx.msk [tilespmem:v27+s9+$0x0], $0xffff  }
0xb8: {  	v38 =	vld.idx.msk [tilespmem:v31+s9+$0x0], $0xffff;
	v36 =	vor.u32 $0x17, v3;
	v4 =	vadd.f32 v5, v4;
	v5 =	vmul.f32 v29, v11  }
0xb9: {  	v40 =	vor.u32 $0x18, v2;
	v10 =	vld.idx.msk [tilespmem:v30+s9+$0x0], $0xffff  }
0xba: {  	v39 =	vor.u32 $0x18, v3;
	v41 =	vld.idx.msk [tilespmem:v34+s9+$0x0], $0xffff;
	v4 =	vadd.f32 v5, v4;
	v5 =	vmul.f32 v32, v13  }
0xbb: {  	v43 =	vor.u32 $0x19, v2;
	v12 =	vld.idx.msk [tilespmem:v33+s9+$0x0], $0xffff  }
0xbc: {  	v42 =	vor.u32 $0x19, v3;
	v44 =	vld.idx.msk [tilespmem:v37+s9+$0x0], $0xffff;
	v4 =	vadd.f32 v5, v4;
	v5 =	vmul.f32 v35, v8  }
0xbd: {  	v46 =	vor.u32 $0x1A, v2;
	v14 =	vld.idx.msk [tilespmem:v36+s9+$0x0], $0xffff  }
0xbe: {  	v45 =	vor.u32 $0x1A, v3;
	v47 =	vld.idx.msk [tilespmem:v40+s9+$0x0], $0xffff;
	v4 =	vadd.f32 v5, v4;
	v5 =	vmul.f32 v38, v10  }
0xbf: {  	v49 =	vor.u32 $0x1B, v2;
	v11 =	vld.idx.msk [tilespmem:v39+s9+$0x0], $0xffff  }
0xc0: {  	v48 =	vor.u32 $0x1B, v3;
	v50 =	vld.idx.msk [tilespmem:v43+s9+$0x0], $0xffff;
	v4 =	vadd.f32 v5, v4;
	v5 =	vmul.f32 v41, v12  }
0xc1: {  	v52 =	vor.u32 $0x1C, v2;
	v13 =	vld.idx.msk [tilespmem:v42+s9+$0x0], $0xffff  }
0xc2: {  	v51 =	vor.u32 $0x1C, v3;
	v53 =	vld.idx.msk [tilespmem:v46+s9+$0x0], $0xffff;
	v4 =	vadd.f32 v5, v4;
	v5 =	vmul.f32 v44, v14  }
0xc3: {  	v54 =	vor.u32 $0x1D, v3;
	v8 =	vld.idx.msk [tilespmem:v45+s9+$0x0], $0xffff  }
0xc4: {  	v55 =	vor.u32 $0x1D, v2;
	v56 =	vld.idx.msk [tilespmem:v49+s9+$0x0], $0xffff;
	v4 =	vadd.f32 v5, v4;
	v5 =	vmul.f32 v47, v11  }
0xc5: {  	v57 =	vor.u32 $0x1E, v3;
	v10 =	vld.idx.msk [tilespmem:v48+s9+$0x0], $0xffff  }
0xc6: {  	v58 =	vor.u32 $0x1E, v2;
	v59 =	vld.idx.msk [tilespmem:v52+s9+$0x0], $0xffff;
	v4 =	vadd.f32 v5, v4;
	v5 =	vmul.f32 v50, v13  }
0xc7: {  	v3 =	vor.u32 $0x1F, v3;
	v12 =	vld.idx.msk [tilespmem:v51+s9+$0x0], $0xffff  }
0xc8: {  	v60 =	vld.idx.msk [tilespmem:v54+s9+$0x0], $0xffff;
	v2 =	vor.u32 $0x1F, v2;
	v4 =	vadd.f32 v5, v4;
	v5 =	vmul.f32 v53, v8  }
0xc9: {  	v61 =	vld.idx.msk [tilespmem:v55+s9+$0x0], $0xffff  }
0xca: {  	v62 =	vld.idx.msk [tilespmem:v57+s9+$0x0], $0xffff;
	v4 =	vadd.f32 v5, v4;
	v5 =	vmul.f32 v56, v10  }
0xcb: {  	v63 =	vld.idx.msk [tilespmem:v58+s9+$0x0], $0xffff  }
0xcc: {  	v3 =	vld.idx.msk [tilespmem:v3+s9+$0x0], $0xffff;
	v4 =	vadd.f32 v5, v4;
	v5 =	vmul.f32 v59, v12  }
0xcd: {  	v2 =	vld.idx.msk [tilespmem:v2+s9+$0x0], $0xffff  }
0xce: {  	v4 =	vadd.f32 v5, v4;
	v5 =	vmul.f32 v61, v60;
	_ =	sdelay $0x1  }
0xcf: {  	v4 =	vadd.f32 v5, v4;
	v5 =	vmul.f32 v63, v62;
	_ =	sdelay $0x1  }
0xd0: {  	v2 =	vmul.f32 v2, v3;
	v4 =	vadd.f32 v5, v4;
	_ =	sdelay $0x1  }
0xd1: {  	v2 =	vadd.f32 v2, v4;
	_ =	sdelay $0x1  }
0xd2: {  	v2 =	vsub.f32 $0.0e+00, v2;
	_ =	sdelay $0x1  }
0xd3: {  	v2 =	vmul.f32 $1.442695020e+00, v2;
	_ =	sdelay $0x1  }
0xd4: {  	(erf) = vpow2.f32 v2;
	_ =	sdelay $0x8  }
0xd5: {  	v2 =	vpop (erf)  }
0xd6: {  	v2 =	vadd.f32 $1.000000000e+00, v2;
	_ =	sdelay $0x1  }
0xd7: {  	(erf) = vrcp.f32 v2;
	_ =	sdelay $0x2  }
0xd8: {  	s31 =	simm.s32 $0x40  }
0xd9: {  	v3 =	vmov s31  }
0xda: {  	s28 =	simm.s32 $0x60;
	s26 =	simm.s32 $0x8400;
	v3 =	vshll.u32 v3, $0x5  }
.LBB2_2:
0xdb: {  	p0 =	sne.s32 s28, $0x3E0;
	v2 =	vor.u32 v1, v3  }
0xdc: {  	v3 =	vor.u32 v0, v3  }
0xdd: {  	v4 =	vor.u32 $0x1, v3  }
0xde: {  	s26 =	sadd.s32 $0x10, s26;
	v5 =	vor.u32 $0x1, v2;
	v6 =	vpop (erf)  }
0xdf: {  	v7 =	vor.u32 $0x2, v3;
	[tilespmem:s26+$0x0] =	vst v6  }
0xe0: {  	v8 =	vor.u32 $0x2, v2;
	v6 =	vld.idx.msk [tilespmem:v2+s9+$0x0], $0xffff  }
0xe1: {  	v10 =	vor.u32 $0x3, v3;
	v9 =	vld.idx.msk [tilespmem:v3+s9+$0x0], $0xffff  }
0xe2: {  	v11 =	vor.u32 $0x3, v2;
	v4 =	vld.idx.msk [tilespmem:v4+s9+$0x0], $0xffff  }
0xe3: {  	v12 =	vor.u32 $0x4, v3;
	v5 =	vld.idx.msk [tilespmem:v5+s9+$0x0], $0xffff  }
0xe4: {  	v13 =	vor.u32 $0x4, v2;
	v7 =	vld.idx.msk [tilespmem:v7+s9+$0x0], $0xffff  }
0xe5: {  	v14 =	vor.u32 $0x5, v3;
	v8 =	vld.idx.msk [tilespmem:v8+s9+$0x0], $0xffff  }
0xe6: {  	v15 =	vor.u32 $0x5, v2;
	v10 =	vld.idx.msk [tilespmem:v10+s9+$0x0], $0xffff  }
0xe7: {  	v6 =	vmul.f32 v6, v9;
	v9 =	vld.idx.msk [tilespmem:v11+s9+$0x0], $0xffff;
	v11 =	vor.u32 $0x6, v3  }
0xe8: {  	v16 =	vor.u32 $0x6, v2;
	v12 =	vld.idx.msk [tilespmem:v12+s9+$0x0], $0xffff  }
0xe9: {  	v6 =	vadd.f32 $0.0e+00, v6;
	v4 =	vmul.f32 v5, v4;
	v5 =	vld.idx.msk [tilespmem:v13+s9+$0x0], $0xffff;
	v13 =	vor.u32 $0x7, v3  }
0xea: {  	v17 =	vor.u32 $0x7, v2;
	v14 =	vld.idx.msk [tilespmem:v14+s9+$0x0], $0xffff  }
0xeb: {  	v4 =	vadd.f32 v4, v6;
	v6 =	vmul.f32 v8, v7;
	v8 =	vor.u32 $0x8, v3;
	v7 =	vld.idx.msk [tilespmem:v15+s9+$0x0], $0xffff  }
0xec: {  	v15 =	vor.u32 $0x8, v2;
	v11 =	vld.idx.msk [tilespmem:v11+s9+$0x0], $0xffff  }
0xed: {  	v4 =	vadd.f32 v6, v4;
	v6 =	vmul.f32 v9, v10;
	v10 =	vor.u32 $0x9, v3;
	v9 =	vld.idx.msk [tilespmem:v16+s9+$0x0], $0xffff  }
0xee: {  	v16 =	vor.u32 $0x9, v2;
	v13 =	vld.idx.msk [tilespmem:v13+s9+$0x0], $0xffff  }
0xef: {  	v4 =	vadd.f32 v6, v4;
	v5 =	vmul.f32 v5, v12;
	v12 =	vor.u32 $0xA, v3;
	v6 =	vld.idx.msk [tilespmem:v17+s9+$0x0], $0xffff  }
0xf0: {  	v17 =	vor.u32 $0xA, v2;
	v8 =	vld.idx.msk [tilespmem:v8+s9+$0x0], $0xffff  }
0xf1: {  	v4 =	vadd.f32 v5, v4;
	v5 =	vmul.f32 v7, v14;
	v14 =	vor.u32 $0xB, v3;
	v7 =	vld.idx.msk [tilespmem:v15+s9+$0x0], $0xffff  }
0xf2: {  	v15 =	vor.u32 $0xB, v2;
	v10 =	vld.idx.msk [tilespmem:v10+s9+$0x0], $0xffff  }
0xf3: {  	v4 =	vadd.f32 v5, v4;
	v5 =	vmul.f32 v9, v11;
	v11 =	vor.u32 $0xC, v3;
	v9 =	vld.idx.msk [tilespmem:v16+s9+$0x0], $0xffff  }
0xf4: {  	v16 =	vor.u32 $0xC, v2;
	v12 =	vld.idx.msk [tilespmem:v12+s9+$0x0], $0xffff  }
0xf5: {  	v4 =	vadd.f32 v5, v4;
	v5 =	vmul.f32 v6, v13;
	v13 =	vor.u32 $0xD, v3;
	v6 =	vld.idx.msk [tilespmem:v17+s9+$0x0], $0xffff  }
0xf6: {  	v17 =	vor.u32 $0xD, v2;
	v14 =	vld.idx.msk [tilespmem:v14+s9+$0x0], $0xffff  }
0xf7: {  	v4 =	vadd.f32 v5, v4;
	v5 =	vmul.f32 v7, v8;
	v8 =	vor.u32 $0xE, v3;
	v7 =	vld.idx.msk [tilespmem:v15+s9+$0x0], $0xffff  }
0xf8: {  	v15 =	vor.u32 $0xE, v2;
	v11 =	vld.idx.msk [tilespmem:v11+s9+$0x0], $0xffff  }
0xf9: {  	v4 =	vadd.f32 v5, v4;
	v5 =	vmul.f32 v9, v10;
	v10 =	vor.u32 $0xF, v3;
	v9 =	vld.idx.msk [tilespmem:v16+s9+$0x0], $0xffff  }
0xfa: {  	v16 =	vor.u32 $0xF, v2;
	v13 =	vld.idx.msk [tilespmem:v13+s9+$0x0], $0xffff  }
0xfb: {  	v4 =	vadd.f32 v5, v4;
	v5 =	vmul.f32 v6, v12;
	v12 =	vor.u32 $0x10, v3;
	v6 =	vld.idx.msk [tilespmem:v17+s9+$0x0], $0xffff  }
0xfc: {  	v17 =	vor.u32 $0x10, v2;
	v8 =	vld.idx.msk [tilespmem:v8+s9+$0x0], $0xffff  }
0xfd: {  	v4 =	vadd.f32 v5, v4;
	v5 =	vmul.f32 v7, v14;
	v14 =	vor.u32 $0x11, v3;
	v7 =	vld.idx.msk [tilespmem:v15+s9+$0x0], $0xffff  }
0xfe: {  	v15 =	vor.u32 $0x11, v2;
	v10 =	vld.idx.msk [tilespmem:v10+s9+$0x0], $0xffff  }
0xff: {  	v4 =	vadd.f32 v5, v4;
	v5 =	vmul.f32 v9, v11;
	v11 =	vor.u32 $0x12, v3;
	v9 =	vld.idx.msk [tilespmem:v16+s9+$0x0], $0xffff  }
0x100: {  	v16 =	vor.u32 $0x12, v2;
	v12 =	vld.idx.msk [tilespmem:v12+s9+$0x0], $0xffff  }
0x101: {  	v4 =	vadd.f32 v5, v4;
	v5 =	vmul.f32 v6, v13;
	v13 =	vor.u32 $0x13, v3;
	v6 =	vld.idx.msk [tilespmem:v17+s9+$0x0], $0xffff  }
0x102: {  	v17 =	vor.u32 $0x13, v2;
	v14 =	vld.idx.msk [tilespmem:v14+s9+$0x0], $0xffff  }
0x103: {  	v4 =	vadd.f32 v5, v4;
	v5 =	vmul.f32 v7, v8;
	v8 =	vor.u32 $0x14, v3;
	v7 =	vld.idx.msk [tilespmem:v15+s9+$0x0], $0xffff  }
0x104: {  	v15 =	vor.u32 $0x14, v2;
	v11 =	vld.idx.msk [tilespmem:v11+s9+$0x0], $0xffff  }
0x105: {  	v4 =	vadd.f32 v5, v4;
	v5 =	vmul.f32 v9, v10;
	v10 =	vor.u32 $0x15, v3;
	v9 =	vld.idx.msk [tilespmem:v16+s9+$0x0], $0xffff  }
0x106: {  	v16 =	vor.u32 $0x15, v2;
	v13 =	vld.idx.msk [tilespmem:v13+s9+$0x0], $0xffff  }
0x107: {  	v4 =	vadd.f32 v5, v4;
	v5 =	vmul.f32 v6, v12;
	v12 =	vor.u32 $0x16, v3;
	v6 =	vld.idx.msk [tilespmem:v17+s9+$0x0], $0xffff  }
0x108: {  	v17 =	vor.u32 $0x16, v2;
	v8 =	vld.idx.msk [tilespmem:v8+s9+$0x0], $0xffff  }
0x109: {  	v4 =	vadd.f32 v5, v4;
	v5 =	vmul.f32 v7, v14;
	v14 =	vor.u32 $0x17, v3;
	v7 =	vld.idx.msk [tilespmem:v15+s9+$0x0], $0xffff  }
0x10a: {  	v15 =	vor.u32 $0x17, v2;
	v10 =	vld.idx.msk [tilespmem:v10+s9+$0x0], $0xffff  }
0x10b: {  	v4 =	vadd.f32 v5, v4;
	v5 =	vmul.f32 v9, v11;
	v11 =	vor.u32 $0x18, v3;
	v9 =	vld.idx.msk [tilespmem:v16+s9+$0x0], $0xffff  }
0x10c: {  	v16 =	vor.u32 $0x18, v2;
	v12 =	vld.idx.msk [tilespmem:v12+s9+$0x0], $0xffff  }
0x10d: {  	v4 =	vadd.f32 v5, v4;
	v5 =	vmul.f32 v6, v13;
	v13 =	vor.u32 $0x19, v3;
	v6 =	vld.idx.msk [tilespmem:v17+s9+$0x0], $0xffff  }
0x10e: {  	v17 =	vor.u32 $0x19, v2;
	v14 =	vld.idx.msk [tilespmem:v14+s9+$0x0], $0xffff  }
0x10f: {  	v4 =	vadd.f32 v5, v4;
	v5 =	vmul.f32 v7, v8;
	v8 =	vor.u32 $0x1A, v3;
	v7 =	vld.idx.msk [tilespmem:v15+s9+$0x0], $0xffff  }
0x110: {  	v15 =	vor.u32 $0x1A, v2;
	v11 =	vld.idx.msk [tilespmem:v11+s9+$0x0], $0xffff  }
0x111: {  	v4 =	vadd.f32 v5, v4;
	v5 =	vmul.f32 v9, v10;
	v10 =	vor.u32 $0x1B, v3;
	v9 =	vld.idx.msk [tilespmem:v16+s9+$0x0], $0xffff  }
0x112: {  	v16 =	vor.u32 $0x1B, v2;
	v13 =	vld.idx.msk [tilespmem:v13+s9+$0x0], $0xffff  }
0x113: {  	v4 =	vadd.f32 v5, v4;
	v5 =	vmul.f32 v6, v12;
	v12 =	vor.u32 $0x1C, v3;
	v6 =	vld.idx.msk [tilespmem:v17+s9+$0x0], $0xffff  }
0x114: {  	v17 =	vor.u32 $0x1C, v2;
	v8 =	vld.idx.msk [tilespmem:v8+s9+$0x0], $0xffff  }
0x115: {  	v4 =	vadd.f32 v5, v4;
	v5 =	vmul.f32 v7, v14;
	v14 =	vor.u32 $0x1D, v3;
	v7 =	vld.idx.msk [tilespmem:v15+s9+$0x0], $0xffff  }
0x116: {  	v15 =	vor.u32 $0x1D, v2;
	v10 =	vld.idx.msk [tilespmem:v10+s9+$0x0], $0xffff  }
0x117: {  	v4 =	vadd.f32 v5, v4;
	v5 =	vmul.f32 v9, v11;
	v11 =	vor.u32 $0x1E, v3;
	v9 =	vld.idx.msk [tilespmem:v16+s9+$0x0], $0xffff  }
0x118: {  	v16 =	vor.u32 $0x1E, v2;
	v12 =	vld.idx.msk [tilespmem:v12+s9+$0x0], $0xffff  }
0x119: {  	v3 =	vor.u32 $0x1F, v3;
	v4 =	vadd.f32 v5, v4;
	v5 =	vmul.f32 v6, v13;
	v6 =	vld.idx.msk [tilespmem:v17+s9+$0x0], $0xffff  }
0x11a: {  	v2 =	vor.u32 $0x1F, v2;
	v13 =	vld.idx.msk [tilespmem:v14+s9+$0x0], $0xffff  }
0x11b: {  	v4 =	vadd.f32 v5, v4;
	v5 =	vmul.f32 v7, v8;
	v7 =	vld.idx.msk [tilespmem:v15+s9+$0x0], $0xffff  }
0x11c: {  	v8 =	vld.idx.msk [tilespmem:v11+s9+$0x0], $0xffff  }
0x11d: {  	v4 =	vadd.f32 v5, v4;
	v5 =	vmul.f32 v9, v10;
	v9 =	vld.idx.msk [tilespmem:v16+s9+$0x0], $0xffff  }
0x11e: {  	v3 =	vld.idx.msk [tilespmem:v3+s9+$0x0], $0xffff  }
0x11f: {  	v4 =	vadd.f32 v5, v4;
	v5 =	vmul.f32 v6, v12;
	v2 =	vld.idx.msk [tilespmem:v2+s9+$0x0], $0xffff;
	_ =	sdelay $0x1  }
0x120: {  	v4 =	vadd.f32 v5, v4;
	v5 =	vmul.f32 v7, v13;
	_ =	sdelay $0x1  }
0x121: {  	v4 =	vadd.f32 v5, v4;
	v5 =	vmul.f32 v9, v8;
	_ =	sdelay $0x1  }
0x122: {  	v4 =	vadd.f32 v5, v4;
	v2 =	vmul.f32 v2, v3;
	_ =	sdelay $0x1  }
0x123: {  	v2 =	vadd.f32 v2, v4;
	_ =	sdelay $0x1  }
0x124: {  	v2 =	vsub.f32 $0.0e+00, v2;
	_ =	sdelay $0x1  }
0x125: {  	v2 =	vmul.f32 $1.442695020e+00, v2;
	_ =	sdelay $0x1  }
0x126: {  	(erf) = vpow2.f32 v2;
	_ =	sdelay $0x8  }
0x127: {  	v2 =	vpop (erf)  }
0x128: {  	v2 =	vadd.f32 $1.000000000e+00, v2;
	_ =	sdelay $0x1  }
0x129: {  	(erf) = vrcp.f32 v2  }
.Ltmp0:
0x12a: {  	(pc) =	sbr.rel @p0 .LBB2_2-.Ltmp0, $3  }
0x12b: {  	_ =	sdelay $0x1  }
0x12c: {  	v2 =	vmov s28  }
0x12d: {  	s28 =	sadd.s32 $0x20, s28;
	v3 =	vshll.u32 v2, $0x5  }
0x12e: {  	v2 =	vor.u32 v1, v3  }
0x12f: {  	v3 =	vor.u32 v0, v3  }
0x130: {  	v4 =	vor.u32 $0x1, v3  }
0x131: {  	s26 =	sadd.s32 $0x10, s26;
	v5 =	vor.u32 $0x1, v2;
	v6 =	vpop (erf)  }
0x132: {  	v7 =	vor.u32 $0x2, v3;
	[tilespmem:s26+$0x0] =	vst v6  }
0x133: {  	v8 =	vor.u32 $0x2, v2;
	v6 =	vld.idx.msk [tilespmem:v2+s9+$0x0], $0xffff  }
0x134: {  	v10 =	vor.u32 $0x3, v3;
	v9 =	vld.idx.msk [tilespmem:v3+s9+$0x0], $0xffff  }
0x135: {  	v11 =	vor.u32 $0x3, v2;
	v4 =	vld.idx.msk [tilespmem:v4+s9+$0x0], $0xffff  }
0x136: {  	v12 =	vor.u32 $0x4, v3;
	v5 =	vld.idx.msk [tilespmem:v5+s9+$0x0], $0xffff  }
0x137: {  	v13 =	vor.u32 $0x4, v2;
	v7 =	vld.idx.msk [tilespmem:v7+s9+$0x0], $0xffff  }
0x138: {  	v14 =	vor.u32 $0x5, v3;
	v8 =	vld.idx.msk [tilespmem:v8+s9+$0x0], $0xffff  }
0x139: {  	v15 =	vor.u32 $0x5, v2;
	v10 =	vld.idx.msk [tilespmem:v10+s9+$0x0], $0xffff;
	v6 =	vmul.f32 v6, v9  }
0x13a: {  	v47 =	vor.u32 $0x6, v3;
	v46 =	vld.idx.msk [tilespmem:v11+s9+$0x0], $0xffff  }
0x13b: {  	v16 =	vor.u32 $0x6, v2;
	v12 =	vld.idx.msk [tilespmem:v12+s9+$0x0], $0xffff;
	v4 =	vmul.f32 v5, v4;
	v6 =	vadd.f32 $0.0e+00, v6  }
0x13c: {  	v49 =	vor.u32 $0x7, v3;
	v48 =	vld.idx.msk [tilespmem:v13+s9+$0x0], $0xffff  }
0x13d: {  	v17 =	vor.u32 $0x7, v2;
	v14 =	vld.idx.msk [tilespmem:v14+s9+$0x0], $0xffff;
	v50 =	vmul.f32 v8, v7;
	v4 =	vadd.f32 v4, v6  }
0x13e: {  	v53 =	vor.u32 $0x8, v2;
	v51 =	vld.idx.msk [tilespmem:v15+s9+$0x0], $0xffff  }
0x13f: {  	v52 =	vor.u32 $0x8, v3;
	v11 =	vld.idx.msk [tilespmem:v47+s9+$0x0], $0xffff;
	v54 =	vmul.f32 v46, v10;
	v4 =	vadd.f32 v50, v4  }
0x140: {  	v57 =	vor.u32 $0x9, v2;
	v55 =	vld.idx.msk [tilespmem:v16+s9+$0x0], $0xffff  }
0x141: {  	v56 =	vor.u32 $0x9, v3;
	v13 =	vld.idx.msk [tilespmem:v49+s9+$0x0], $0xffff;
	v5 =	vmul.f32 v48, v12;
	v4 =	vadd.f32 v54, v4  }
0x142: {  	v60 =	vor.u32 $0xA, v2;
	v58 =	vld.idx.msk [tilespmem:v17+s9+$0x0], $0xffff  }
0x143: {  	v59 =	vor.u32 $0xA, v3;
	v62 =	vld.idx.msk [tilespmem:v53+s9+$0x0], $0xffff;
	v61 =	vmul.f32 v51, v14;
	v4 =	vadd.f32 v5, v4  }
0x144: {  	v20 =	vor.u32 $0xB, v2;
	v8 =	vld.idx.msk [tilespmem:v52+s9+$0x0], $0xffff  }
0x145: {  	v63 =	vor.u32 $0xB, v3;
	v22 =	vld.idx.msk [tilespmem:v57+s9+$0x0], $0xffff;
	v21 =	vmul.f32 v55, v11;
	v4 =	vadd.f32 v61, v4  }
0x146: {  	v24 =	vor.u32 $0xC, v2;
	v10 =	vld.idx.msk [tilespmem:v56+s9+$0x0], $0xffff  }
0x147: {  	v23 =	vor.u32 $0xC, v3;
	v26 =	vld.idx.msk [tilespmem:v60+s9+$0x0], $0xffff;
	v25 =	vmul.f32 v58, v13;
	v4 =	vadd.f32 v21, v4  }
0x148: {  	v28 =	vor.u32 $0xD, v2;
	v12 =	vld.idx.msk [tilespmem:v59+s9+$0x0], $0xffff  }
0x149: {  	v27 =	vor.u32 $0xD, v3;
	v30 =	vld.idx.msk [tilespmem:v20+s9+$0x0], $0xffff;
	v29 =	vmul.f32 v62, v8;
	v4 =	vadd.f32 v25, v4  }
0x14a: {  	v32 =	vor.u32 $0xE, v2;
	v14 =	vld.idx.msk [tilespmem:v63+s9+$0x0], $0xffff  }
0x14b: {  	v31 =	vor.u32 $0xE, v3;
	v34 =	vld.idx.msk [tilespmem:v24+s9+$0x0], $0xffff;
	v33 =	vmul.f32 v22, v10;
	v4 =	vadd.f32 v29, v4  }
0x14c: {  	v36 =	vor.u32 $0xF, v2;
	v11 =	vld.idx.msk [tilespmem:v23+s9+$0x0], $0xffff  }
0x14d: {  	v35 =	vor.u32 $0xF, v3;
	v38 =	vld.idx.msk [tilespmem:v28+s9+$0x0], $0xffff;
	v37 =	vmul.f32 v26, v12;
	v4 =	vadd.f32 v33, v4  }
0x14e: {  	v39 =	vor.u32 $0x10, v3;
	v13 =	vld.idx.msk [tilespmem:v27+s9+$0x0], $0xffff  }
0x14f: {  	v40 =	vor.u32 $0x10, v2;
	v42 =	vld.idx.msk [tilespmem:v32+s9+$0x0], $0xffff;
	v41 =	vmul.f32 v30, v14;
	v4 =	vadd.f32 v37, v4  }
0x150: {  	v43 =	vor.u32 $0x11, v3;
	v8 =	vld.idx.msk [tilespmem:v31+s9+$0x0], $0xffff  }
0x151: {  	v44 =	vor.u32 $0x11, v2;
	v46 =	vld.idx.msk [tilespmem:v36+s9+$0x0], $0xffff;
	v45 =	vmul.f32 v34, v11;
	v4 =	vadd.f32 v41, v4  }
0x152: {  	v47 =	vor.u32 $0x12, v3;
	v10 =	vld.idx.msk [tilespmem:v35+s9+$0x0], $0xffff  }
0x153: {  	v48 =	vor.u32 $0x12, v2;
	v12 =	vld.idx.msk [tilespmem:v39+s9+$0x0], $0xffff;
	v49 =	vmul.f32 v38, v13;
	v4 =	vadd.f32 v45, v4  }
0x154: {  	v51 =	vor.u32 $0x13, v3;
	v50 =	vld.idx.msk [tilespmem:v40+s9+$0x0], $0xffff  }
0x155: {  	v52 =	vor.u32 $0x13, v2;
	v14 =	vld.idx.msk [tilespmem:v43+s9+$0x0], $0xffff;
	v53 =	vmul.f32 v42, v8;
	v4 =	vadd.f32 v49, v4  }
0x156: {  	v56 =	vor.u32 $0x14, v2;
	v54 =	vld.idx.msk [tilespmem:v44+s9+$0x0], $0xffff  }
0x157: {  	v55 =	vor.u32 $0x14, v3;
	v11 =	vld.idx.msk [tilespmem:v47+s9+$0x0], $0xffff;
	v57 =	vmul.f32 v46, v10;
	v4 =	vadd.f32 v53, v4  }
0x158: {  	v60 =	vor.u32 $0x15, v2;
	v58 =	vld.idx.msk [tilespmem:v48+s9+$0x0], $0xffff  }
0x159: {  	v59 =	vor.u32 $0x15, v3;
	v13 =	vld.idx.msk [tilespmem:v51+s9+$0x0], $0xffff;
	v61 =	vmul.f32 v50, v12;
	v4 =	vadd.f32 v57, v4  }
0x15a: {  	v20 =	vor.u32 $0x16, v2;
	v62 =	vld.idx.msk [tilespmem:v52+s9+$0x0], $0xffff  }
0x15b: {  	v63 =	vor.u32 $0x16, v3;
	v22 =	vld.idx.msk [tilespmem:v56+s9+$0x0], $0xffff;
	v21 =	vmul.f32 v54, v14;
	v4 =	vadd.f32 v61, v4  }
0x15c: {  	v24 =	vor.u32 $0x17, v2;
	v8 =	vld.idx.msk [tilespmem:v55+s9+$0x0], $0xffff  }
0x15d: {  	v23 =	vor.u32 $0x17, v3;
	v26 =	vld.idx.msk [tilespmem:v60+s9+$0x0], $0xffff;
	v25 =	vmul.f32 v58, v11;
	v4 =	vadd.f32 v21, v4  }
0x15e: {  	v28 =	vor.u32 $0x18, v2;
	v10 =	vld.idx.msk [tilespmem:v59+s9+$0x0], $0xffff  }
0x15f: {  	v27 =	vor.u32 $0x18, v3;
	v30 =	vld.idx.msk [tilespmem:v20+s9+$0x0], $0xffff;
	v29 =	vmul.f32 v62, v13;
	v4 =	vadd.f32 v25, v4  }
0x160: {  	v32 =	vor.u32 $0x19, v2;
	v12 =	vld.idx.msk [tilespmem:v63+s9+$0x0], $0xffff  }
0x161: {  	v31 =	vor.u32 $0x19, v3;
	v34 =	vld.idx.msk [tilespmem:v24+s9+$0x0], $0xffff;
	v33 =	vmul.f32 v22, v8;
	v4 =	vadd.f32 v29, v4  }
0x162: {  	v36 =	vor.u32 $0x1A, v2;
	v14 =	vld.idx.msk [tilespmem:v23+s9+$0x0], $0xffff  }
0x163: {  	v35 =	vor.u32 $0x1A, v3;
	v38 =	vld.idx.msk [tilespmem:v28+s9+$0x0], $0xffff;
	v37 =	vmul.f32 v26, v10;
	v4 =	vadd.f32 v33, v4  }
0x164: {  	v40 =	vor.u32 $0x1B, v2;
	v11 =	vld.idx.msk [tilespmem:v27+s9+$0x0], $0xffff  }
0x165: {  	v39 =	vor.u32 $0x1B, v3;
	v42 =	vld.idx.msk [tilespmem:v32+s9+$0x0], $0xffff;
	v41 =	vmul.f32 v30, v12;
	v4 =	vadd.f32 v37, v4  }
0x166: {  	v44 =	vor.u32 $0x1C, v2;
	v13 =	vld.idx.msk [tilespmem:v31+s9+$0x0], $0xffff  }
0x167: {  	v43 =	vor.u32 $0x1C, v3;
	v46 =	vld.idx.msk [tilespmem:v36+s9+$0x0], $0xffff;
	v45 =	vmul.f32 v34, v14;
	v4 =	vadd.f32 v41, v4  }
0x168: {  	v47 =	vor.u32 $0x1D, v3;
	v8 =	vld.idx.msk [tilespmem:v35+s9+$0x0], $0xffff  }
0x169: {  	v48 =	vor.u32 $0x1D, v2;
	v50 =	vld.idx.msk [tilespmem:v40+s9+$0x0], $0xffff;
	v49 =	vmul.f32 v38, v11;
	v4 =	vadd.f32 v45, v4  }
0x16a: {  	v52 =	vor.u32 $0x1E, v2;
	v10 =	vld.idx.msk [tilespmem:v39+s9+$0x0], $0xffff  }
0x16b: {  	v51 =	vor.u32 $0x1E, v3;
	v54 =	vld.idx.msk [tilespmem:v44+s9+$0x0], $0xffff;
	v53 =	vmul.f32 v42, v13;
	v4 =	vadd.f32 v49, v4  }
0x16c: {  	v3 =	vor.u32 $0x1F, v3;
	v12 =	vld.idx.msk [tilespmem:v43+s9+$0x0], $0xffff  }
0x16d: {  	v2 =	vor.u32 $0x1F, v2;
	v55 =	vld.idx.msk [tilespmem:v47+s9+$0x0], $0xffff;
	v56 =	vmul.f32 v46, v8;
	v4 =	vadd.f32 v53, v4  }
0x16e: {  	v57 =	vld.idx.msk [tilespmem:v48+s9+$0x0], $0xffff  }
0x16f: {  	v60 =	vld.idx.msk [tilespmem:v52+s9+$0x0], $0xffff;
	v59 =	vmul.f32 v50, v10;
	v4 =	vadd.f32 v56, v4  }
0x170: {  	v58 =	vld.idx.msk [tilespmem:v51+s9+$0x0], $0xffff  }
0x171: {  	v3 =	vld.idx.msk [tilespmem:v3+s9+$0x0], $0xffff;
	v61 =	vmul.f32 v54, v12;
	v4 =	vadd.f32 v59, v4  }
0x172: {  	v2 =	vld.idx.msk [tilespmem:v2+s9+$0x0], $0xffff  }
0x173: {  	v62 =	vmul.f32 v57, v55;
	v4 =	vadd.f32 v61, v4;
	_ =	sdelay $0x1  }
0x174: {  	v63 =	vmul.f32 v60, v58;
	v4 =	vadd.f32 v62, v4;
	_ =	sdelay $0x1  }
0x175: {  	v2 =	vmul.f32 v2, v3;
	v4 =	vadd.f32 v63, v4;
	_ =	sdelay $0x1  }
0x176: {  	v2 =	vadd.f32 v2, v4;
	_ =	sdelay $0x1  }
0x177: {  	v2 =	vsub.f32 $0.0e+00, v2;
	_ =	sdelay $0x1  }
0x178: {  	v2 =	vmul.f32 $1.442695020e+00, v2;
	_ =	sdelay $0x1  }
0x179: {  	(erf) = vpow2.f32 v2;
	_ =	sdelay $0x8  }
0x17a: {  	v2 =	vpop (erf)  }
0x17b: {  	v2 =	vadd.f32 $1.000000000e+00, v2;
	_ =	sdelay $0x1  }
0x17c: {  	(erf) = vrcp.f32 v2;
	_ =	sdelay $0x7  }
0x17d: {  	s25 =	sadd.s32 $0x1, s25  }
0x17e: {  	p0 =	sne.s32 s25, s6;
	s26 =	sadd.s32 $0x10, s26;
	v2 =	vpop (erf)  }
.Ltmp1:
0x17f: {  	[tilespmem:s26+$0x0] =	vst v2;
	(pc) =	sbr.rel @p0 .LBB2_1-.Ltmp1, $4  }
0x180: {  	[hbm4b:s5+s2] =	stream.linear.scatter [tilespmem:s24], [sflag:$0x2], $0x200, $0x38;
	[tilespmem:$0x8600] =	vst v63  }
0x181: {  	_ =	swait.ge [sflag:s7], $0x200  }
0x182: {  	[sflag:s7] =	ssyncset.done $0x0  }
0x183: {  	[sflag:s7] =	ssyncadd.s32 $0xFFFFFE00  }
0x184: {  	_ =	sfence.sel $0x180000  }
0x185: {  	[bflag:$0x0] =	sbarrier.arrive $0xFFFF  }
0x186: {  	p0 =	sne.s32 s1, $0x0;
	_ =	strace $0x90000047  }
0x187: {  	s0 =	sadd.s32 @!p0 $0x100000, s0;
	[bflag:$0x2] =	sbarrier.arrive $0xFFFF  }
0x188: {  	[sflag:s0] =	ssyncadd.tile.s32 @!p0 $0x1;
	_ =	shalt  }
.Lfunc_end2:
_tile_overlayer_lowered:
.L_overlay_start_2:
0x189: {  	(tag) =	ssettag $0x2  }
0x18a: {  	s0 =	rddreg [dreg:$0x0];
	s2 =	stileid.u32  }
0x18b: {  	s1 =	rddreg [dreg:$0x1];
	p0 =	sne.s32 s2, $0x0  }
0x18c: {  	s3 =	rddreg [dreg:$0x2];
	[bflag:$0x3] =	sbarrier.arrive $0xFFFF;
	s2 =	simm.s32 @!p0 $0x1C02  }
0x18d: {  	[timem:s3], [sflag:s2] =	dma.local @!p0 [hbm:s0], s1  }
0x18e: {  	s0 =	simm.s32 @!p0 $0x2  }
0x18f: {  	_ =	swait.ge @!p0 [sflag:s0], s1  }
0x190: {  	s1 =	ssub.s32 @!p0 $0x0, s1;
	[sflag:s0] =	ssyncset.done @!p0 $0x0  }
0x191: {  	[sflag:s0] =	ssyncadd.s32 @!p0 s1  }
0x192: {  	[bflag:$0x3] =	sbarrier.arrive $0xFFFF  }
0x193: {  	_ =	shalt  }

</sc_bundles>
